<compile_context>
chip_gen: v7x
topology: tpu7x:2x2x1
jax: 0.10.2.dev20260603
libtpu: 0.0.44.dev20260713+nightly
codegen_flags: <defaults>
</compile_context>

<pallas_src>
import functools

import jax
import jax.numpy as jnp
from jax import lax
from jax.experimental import pallas as pl
from jax.experimental.pallas import tpu as pltpu
from jax.experimental.pallas import tpu_sc as plsc

NUM_FIELDS = 26
VOCAB = 100000
EMBED_DIM = 32
BATCH = 16384

_info = plsc.get_sparse_core_info()
_NC, _NS, _L = _info.num_cores, _info.num_subcores, _info.num_lanes
NW = _NC * _NS
NPAIRS = NUM_FIELDS * EMBED_DIM
PPW = NPAIRS // NW
SLAB = 4096
NSLAB = BATCH // SLAB


def _sc_call(tabT, xP):
    mesh = plsc.VectorSubcoreMesh(core_axis_name="c", subcore_axis_name="s")

    @functools.partial(
        pl.kernel,
        mesh=mesh,
        out_type=jax.ShapeDtypeStruct((NUM_FIELDS, EMBED_DIM, BATCH),
                                      jnp.float32),
        compiler_params=pltpu.CompilerParams(
            needs_layout_passes=False, use_tc_tiling_on_sc=True),
        scratch_types=[
            pltpu.VMEM((VOCAB,), jnp.float32),
            pltpu.VMEM((BATCH // 128, 128), jnp.int32),
            pltpu.VMEM((SLAB,), jnp.float32),
            pltpu.VMEM((SLAB,), jnp.float32),
            pltpu.SemaphoreType.DMA,
            pltpu.SemaphoreType.DMA,
            pltpu.SemaphoreType.DMA,
        ],
    )
    def k(tabT_hbm, xP_hbm, out_hbm, row_v, idx_v, o_v0, o_v1, sem,
          osem0, osem1):
        wid = lax.axis_index("s") * _NC + lax.axis_index("c")
        obufs = (o_v0, o_v1)
        osems = (osem0, osem1)

        def pair_body(p0, prev_f):
            p0r = lax.rem(p0 + wid, PPW)
            p = wid * PPW + p0r
            f = p // EMBED_DIM
            d = p % EMBED_DIM

            @pl.when(f != prev_f)
            def _():
                pltpu.async_copy(xP_hbm.at[f], idx_v, sem).wait()

            pltpu.async_copy(tabT_hbm.at[f, d], row_v, sem).wait()

            for s in range(NSLAB):
                ob = obufs[s % 2]
                if s >= 2:
                    pltpu.make_async_copy(
                        ob, out_hbm.at[f, d, pl.ds((s - 2) * SLAB, SLAB)],
                        osems[s % 2]).wait()
                else:
                    @pl.when(p0 > 0)
                    def _():
                        pltpu.make_async_copy(
                            ob,
                            out_hbm.at[f, d,
                                       pl.ds((NSLAB - 2 + s) * SLAB, SLAB)],
                            osems[s % 2]).wait()

                def gather_body(j, c2):
                    base_row = s * (SLAB // 128) + j
                    for u in range(8):
                        idxv = idx_v[base_row, pl.ds(u * _L, _L)]
                        ob[pl.ds(j * 128 + u * _L, _L)] = (
                            plsc.load_gather(row_v, [idxv]))
                    return c2

                lax.fori_loop(0, SLAB // 128, gather_body, jnp.int32(0))
                pltpu.async_copy(
                    ob, out_hbm.at[f, d, pl.ds(s * SLAB, SLAB)],
                    osems[s % 2])
            return f

        lax.fori_loop(0, PPW, pair_body, jnp.int32(-1))
        for s in (NSLAB - 2, NSLAB - 1):
            pltpu.make_async_copy(
                obufs[s % 2],
                out_hbm.at[NUM_FIELDS - 1, EMBED_DIM - 1,
                           pl.ds(s * SLAB, SLAB)],
                osems[s % 2]).wait()

    return k(tabT, xP)


def kernel(x, tables):
    tabT = jnp.transpose(tables, (0, 2, 1))
    xP = x.T.astype(jnp.int32).reshape(NUM_FIELDS, BATCH // 128, 128)
    outT = _sc_call(tabT, xP)
    return jnp.transpose(outT, (2, 1, 0))

# --- scband reference (transcript-rebuilt; emitter-appended) ---
"""Pipeline reference for scband-multi-embed-33346126086928 (READ-ONLY COPY).

The authoritative reference and input builder live on the scoring server;
editing this copy changes nothing except your own understanding.
"""

import jax, jax.numpy as jnp
import numpy as np

NUM_FIELDS = 26
VOCAB = 100000
EMBED_DIM = 32
BATCH = 16384


def setup_inputs(seed: int = 0) -> dict:
    key = jax.random.key(seed)
    k1, k2 = jax.random.split(key)
    x = jax.random.randint(k1, (BATCH, NUM_FIELDS), 0, VOCAB, dtype=jnp.int64 if jax.config.jax_enable_x64 else jnp.int32)
    # Stacked embedding tables: one [VOCAB, EMBED_DIM] table per sparse field.
    tables = jax.random.normal(k2, (NUM_FIELDS, VOCAB, EMBED_DIM), dtype=jnp.float32)
    return {"x": x, "tables": tables}


def reference(x, tables):
    # Faithful translation of MultiEmbed.forward with cat_dim=-1:
    # for each field i: embed x[..., i] with table i, unsqueeze(-1), then concat along -1.
    outs = []
    for i in range(NUM_FIELDS):
        emb = jnp.take(tables[i], x[..., i], axis=0)  # [BATCH, EMBED_DIM]
        outs.append(emb[..., None])  # unsqueeze at cat_dim=-1 -> [BATCH, EMBED_DIM, 1]
    return jnp.concatenate(outs, axis=-1)  # [BATCH, EMBED_DIM, NUM_FIELDS]

if __name__ == "__main__":
    import jax
    _d = setup_inputs()
    print(jax.jit(kernel)(*tuple(_d.values())))

</pallas_src>

<mosaic_0001>
#map = affine_map<(d0, d1) -> (0, 0, 0)>
module attributes {stable_mosaic.version = 14 : i64} {
  func.func @k(%arg0: i32, %arg1: i32, %arg2: memref<26x32x100000xf32, #tpu.memory_space<hbm>>, %arg3: memref<26x128x128xi32, #tpu.memory_space<hbm>>, %arg4: memref<26x32x16384xf32, #tpu.memory_space<hbm>>, %arg5: memref<100000xf32, #tpu.memory_space<vmem>>, %arg6: memref<128x128xi32, #tpu.memory_space<vmem>>, %arg7: memref<4096xf32, #tpu.memory_space<vmem>>, %arg8: memref<4096xf32, #tpu.memory_space<vmem>>, %arg9: memref<!tpu.dma_semaphore, #tpu.memory_space<semaphore_mem>>, %arg10: memref<!tpu.dma_semaphore, #tpu.memory_space<semaphore_mem>>, %arg11: memref<!tpu.dma_semaphore, #tpu.memory_space<semaphore_mem>>) attributes {dimension_semantics = [#tpu.dimension_semantics<core_parallel>, #tpu.dimension_semantics<subcore_parallel>], iteration_bounds = array<i64: 2, 16>, scalar_prefetch = 0 : i64, scratch_operands = 7 : i64, tpu.core_type = #tpu.core_type<sc_vector_subcore>, window_params = [{transform_indices = #map}, {transform_indices = #map}, {transform_indices = #map}]} {
    %mul3A = arith.constant 2 : i32
    %mul3A_0 = arith.muli %arg1, %mul3A : i32
    %add3A = arith.addi %mul3A_0, %arg0 : i32
    %scan3A = arith.constant -1 : i32
    %scan3A_1 = arith.constant 0 : i32
    %scan3A_2 = arith.constant 26 : i32
    %scan3A_3 = arith.addi %scan3A_1, %scan3A_2 : i32
    %scan3A_4 = arith.constant 1 : i32
    %scan3A_5 = scf.for %scan3A_22 = %scan3A_1 to %scan3A_3 step %scan3A_4 iter_args(%scan3A_23 = %scan3A) -> (i32)  : i32 {
      %add3A_24 = arith.addi %scan3A_22, %add3A : i32
      %rem3A = arith.constant 26 : i32
      %rem3A_25 = arith.remsi %add3A_24, %rem3A : i32
      %mul3A_26 = arith.constant 26 : i32
      %mul3A_27 = arith.muli %add3A, %mul3A_26 : i32
      %add3A_28 = arith.addi %mul3A_27, %rem3A_25 : i32
      %jit3A = arith.constant 32 : i32
      %div3A = arith.divsi %add3A_28, %jit3A : i32
      %sign3A = arith.constant 0 : i32
      %sign3A_29 = arith.cmpi sgt, %add3A_28, %sign3A : i32
      %sign3A_30 = arith.extui %sign3A_29 : i1 to i32
      %sign3A_31 = arith.constant 0 : i32
      %sign3A_32 = arith.cmpi slt, %add3A_28, %sign3A_31 : i32
      %sign3A_33 = arith.extui %sign3A_32 : i1 to i32
      %sign3A_34 = arith.subi %sign3A_30, %sign3A_33 : i32
      %sign3A_35 = arith.constant 0 : i32
      %sign3A_36 = arith.cmpi sgt, %jit3A, %sign3A_35 : i32
      %sign3A_37 = arith.extui %sign3A_36 : i1 to i32
      %sign3A_38 = arith.constant 0 : i32
      %sign3A_39 = arith.cmpi slt, %jit3A, %sign3A_38 : i32
      %sign3A_40 = arith.extui %sign3A_39 : i1 to i32
      %sign3A_41 = arith.subi %sign3A_37, %sign3A_40 : i32
      %ne3A = arith.cmpi ne, %sign3A_34, %sign3A_41 : i32
      %rem3A_42 = arith.remsi %add3A_28, %jit3A : i32
      %ne3A_43 = arith.constant 0 : i32
      %ne3A_44 = arith.cmpi ne, %rem3A_42, %ne3A_43 : i32
      %and3A = arith.andi %ne3A, %ne3A_44 : i1
      %sub3A = arith.constant 1 : i32
      %sub3A_45 = arith.subi %div3A, %sub3A : i32
      %select_n3A = arith.select %and3A, %sub3A_45, %div3A : i32
      %jit3A_46 = arith.constant 32 : i32
      %eq3A = arith.constant 0 : i32
      %eq3A_47 = arith.cmpi eq, %jit3A_46, %eq3A : i32
      %jit3A_48 = arith.constant 1 : i32
      %select_n3A_49 = arith.select %eq3A_47, %jit3A_48, %jit3A_46 : i32
      %rem3A_50 = arith.remsi %add3A_28, %select_n3A_49 : i32
      %ne3A_51 = arith.constant 0 : i32
      %ne3A_52 = arith.cmpi ne, %rem3A_50, %ne3A_51 : i32
      %lt3A = arith.constant 0 : i32
      %lt3A_53 = arith.cmpi slt, %rem3A_50, %lt3A : i32
      %lt3A_54 = arith.constant 0 : i32
      %lt3A_55 = arith.cmpi slt, %select_n3A_49, %lt3A_54 : i32
      %ne3A_56 = arith.xori %lt3A_53, %lt3A_55 : i1
      %and3A_57 = arith.andi %ne3A_56, %ne3A_52 : i1
      %add3A_58 = arith.addi %rem3A_50, %select_n3A_49 : i32
      %select_n3A_59 = arith.select %and3A_57, %add3A_58, %rem3A_50 : i32
      %ne3A_60 = arith.cmpi ne, %select_n3A, %scan3A_23 : i32
      %convert_element_type3A = arith.extui %ne3A_60 : i1 to i32
      %cond3A = arith.constant 0 : i32
      %cond3A_61 = arith.cmpi ne, %convert_element_type3A, %cond3A : i32
      scf.if %cond3A_61 {
        %dma_start3A_142 = arith.constant 0 : i32
        %dma_start3A_143 = arith.constant 0 : i32
        %dma_start3A_144 = tpu.memref_slice %arg3[%select_n3A, %dma_start3A_142, %dma_start3A_143] : memref<26x128x128xi32, #tpu.memory_space<hbm>> -> memref<1x128x128xi32, #tpu.memory_space<hbm>>
        %dma_start3A_145 = tpu.memref_squeeze %dma_start3A_144 : memref<1x128x128xi32, #tpu.memory_space<hbm>> -> memref<128x128xi32, #tpu.memory_space<hbm>>
        %dma_start3A_146 = arith.constant 0 : i32
        %dma_start3A_147 = arith.constant 0 : i32
        %dma_start3A_148 = tpu.memref_slice %arg3[%select_n3A, %dma_start3A_146, %dma_start3A_147] : memref<26x128x128xi32, #tpu.memory_space<hbm>> -> memref<1x128x128xi32, #tpu.memory_space<hbm>>
        %dma_start3A_149 = tpu.memref_squeeze %dma_start3A_148 : memref<1x128x128xi32, #tpu.memory_space<hbm>> -> memref<128x128xi32, #tpu.memory_space<hbm>>
        tpu.enqueue_dma source(%dma_start3A_149 : memref<128x128xi32, #tpu.memory_space<hbm>>) target(%arg6 : memref<128x128xi32, #tpu.memory_space<vmem>>) target_semaphore(%arg9 : memref<!tpu.dma_semaphore, #tpu.memory_space<semaphore_mem>>)
        %dma_wait3A_150 = arith.constant 0 : i32
        %dma_wait3A_151 = arith.constant 0 : i32
        %dma_wait3A_152 = tpu.memref_slice %arg3[%select_n3A, %dma_wait3A_150, %dma_wait3A_151] : memref<26x128x128xi32, #tpu.memory_space<hbm>> -> memref<1x128x128xi32, #tpu.memory_space<hbm>>
        %dma_wait3A_153 = tpu.memref_squeeze %dma_wait3A_152 : memref<1x128x128xi32, #tpu.memory_space<hbm>> -> memref<128x128xi32, #tpu.memory_space<hbm>>
        %dma_wait3A_154 = arith.constant 0 : i32
        %dma_wait3A_155 = arith.constant 0 : i32
        %dma_wait3A_156 = tpu.memref_slice %arg3[%select_n3A, %dma_wait3A_154, %dma_wait3A_155] : memref<26x128x128xi32, #tpu.memory_space<hbm>> -> memref<1x128x128xi32, #tpu.memory_space<hbm>>
        %dma_wait3A_157 = tpu.memref_squeeze %dma_wait3A_156 : memref<1x128x128xi32, #tpu.memory_space<hbm>> -> memref<128x128xi32, #tpu.memory_space<hbm>>
        tpu.wait_dma2 semaphore(%arg9 : memref<!tpu.dma_semaphore, #tpu.memory_space<semaphore_mem>>) src(%dma_wait3A_157 : memref<128x128xi32, #tpu.memory_space<hbm>>) dst(%arg6 : memref<128x128xi32, #tpu.memory_space<vmem>>)
      } else {
      }
      %dma_start3A = arith.constant 0 : i32
      %dma_start3A_62 = tpu.memref_slice %arg2[%select_n3A, %select_n3A_59, %dma_start3A] : memref<26x32x100000xf32, #tpu.memory_space<hbm>> -> memref<1x1x100000xf32, #tpu.memory_space<hbm>>
      %dma_start3A_63 = tpu.memref_squeeze %dma_start3A_62 : memref<1x1x100000xf32, #tpu.memory_space<hbm>> -> memref<100000xf32, #tpu.memory_space<hbm>>
      %dma_start3A_64 = arith.constant 0 : i32
      %dma_start3A_65 = tpu.memref_slice %arg2[%select_n3A, %select_n3A_59, %dma_start3A_64] : memref<26x32x100000xf32, #tpu.memory_space<hbm>> -> memref<1x1x100000xf32, #tpu.memory_space<hbm>>
      %dma_start3A_66 = tpu.memref_squeeze %dma_start3A_65 : memref<1x1x100000xf32, #tpu.memory_space<hbm>> -> memref<100000xf32, #tpu.memory_space<hbm>>
      tpu.enqueue_dma source(%dma_start3A_66 : memref<100000xf32, #tpu.memory_space<hbm>>) target(%arg5 : memref<100000xf32, #tpu.memory_space<vmem>>) target_semaphore(%arg9 : memref<!tpu.dma_semaphore, #tpu.memory_space<semaphore_mem>>)
      %dma_wait3A_67 = arith.constant 0 : i32
      %dma_wait3A_68 = tpu.memref_slice %arg2[%select_n3A, %select_n3A_59, %dma_wait3A_67] : memref<26x32x100000xf32, #tpu.memory_space<hbm>> -> memref<1x1x100000xf32, #tpu.memory_space<hbm>>
      %dma_wait3A_69 = tpu.memref_squeeze %dma_wait3A_68 : memref<1x1x100000xf32, #tpu.memory_space<hbm>> -> memref<100000xf32, #tpu.memory_space<hbm>>
      %dma_wait3A_70 = arith.constant 0 : i32
      %dma_wait3A_71 = tpu.memref_slice %arg2[%select_n3A, %select_n3A_59, %dma_wait3A_70] : memref<26x32x100000xf32, #tpu.memory_space<hbm>> -> memref<1x1x100000xf32, #tpu.memory_space<hbm>>
      %dma_wait3A_72 = tpu.memref_squeeze %dma_wait3A_71 : memref<1x1x100000xf32, #tpu.memory_space<hbm>> -> memref<100000xf32, #tpu.memory_space<hbm>>
      tpu.wait_dma2 semaphore(%arg9 : memref<!tpu.dma_semaphore, #tpu.memory_space<semaphore_mem>>) src(%dma_wait3A_72 : memref<100000xf32, #tpu.memory_space<hbm>>) dst(%arg5 : memref<100000xf32, #tpu.memory_space<vmem>>)
      %gt3A = arith.constant 0 : i32
      %gt3A_73 = arith.cmpi sgt, %scan3A_22, %gt3A : i32
      %convert_element_type3A_74 = arith.extui %gt3A_73 : i1 to i32
      %cond3A_75 = arith.constant 0 : i32
      %cond3A_76 = arith.cmpi ne, %convert_element_type3A_74, %cond3A_75 : i32
      scf.if %cond3A_76 {
        %dma_wait3A_142 = arith.constant 8192 : i32
        %dma_wait3A_143 = tpu.memref_slice %arg4[%select_n3A, %select_n3A_59, %dma_wait3A_142] : memref<26x32x16384xf32, #tpu.memory_space<hbm>> -> memref<1x1x4096xf32, #tpu.memory_space<hbm>>
        %dma_wait3A_144 = tpu.memref_squeeze %dma_wait3A_143 : memref<1x1x4096xf32, #tpu.memory_space<hbm>> -> memref<4096xf32, #tpu.memory_space<hbm>>
        %dma_wait3A_145 = arith.constant 8192 : i32
        %dma_wait3A_146 = tpu.memref_slice %arg4[%select_n3A, %select_n3A_59, %dma_wait3A_145] : memref<26x32x16384xf32, #tpu.memory_space<hbm>> -> memref<1x1x4096xf32, #tpu.memory_space<hbm>>
        %dma_wait3A_147 = tpu.memref_squeeze %dma_wait3A_146 : memref<1x1x4096xf32, #tpu.memory_space<hbm>> -> memref<4096xf32, #tpu.memory_space<hbm>>
        tpu.wait_dma2 semaphore(%arg10 : memref<!tpu.dma_semaphore, #tpu.memory_space<semaphore_mem>>) src(%arg7 : memref<4096xf32, #tpu.memory_space<vmem>>) dst(%dma_wait3A_147 : memref<4096xf32, #tpu.memory_space<hbm>>)
      } else {
      }
      %scan3A_77 = arith.constant 0 : i32
      %scan3A_78 = arith.constant 0 : i32
      %scan3A_79 = arith.constant 32 : i32
      %scan3A_80 = arith.addi %scan3A_78, %scan3A_79 : i32
      %scan3A_81 = arith.constant 1 : i32
      scf.for %scan3A_142 = %scan3A_78 to %scan3A_80 step %scan3A_81  : i32 {
        %add3A_143 = arith.constant 0 : i32
        %add3A_144 = arith.addi %add3A_143, %scan3A_142 : i32
        %get3A = arith.index_cast %add3A_144 : i32 to index
        %get3A_145 = arith.constant 0 : index
        %get3A_146 = tpu.vector_load %arg6[%get3A, %get3A_145] {strides = array<i32>} : memref<128x128xi32, #tpu.memory_space<vmem>>, vector<16xi32>,
        %gather3A = tpu.vector_load_idx %arg5[%get3A_146] : memref<100000xf32, #tpu.memory_space<vmem>>[vector<16xi32>], vector<16xf32>,
        %mul3A_147 = arith.constant 128 : i32
        %mul3A_148 = arith.muli %scan3A_142, %mul3A_147 : i32
        %add3A_149 = arith.constant 0 : i32
        %add3A_150 = arith.addi %mul3A_148, %add3A_149 : i32
        %swap3A = arith.index_cast %add3A_150 : i32 to index
        %swap3A_151 = tpu.vector_load %arg7[%swap3A] {strides = array<i32>} : memref<4096xf32, #tpu.memory_space<vmem>>, vector<16xf32>,
        tpu.vector_store %arg7[%swap3A], %gather3A {strides = array<i32>} : memref<4096xf32, #tpu.memory_space<vmem>>, vector<16xf32>,
        %get3A_152 = arith.index_cast %add3A_144 : i32 to index
        %get3A_153 = arith.constant 16 : index
        %get3A_154 = tpu.vector_load %arg6[%get3A_152, %get3A_153] {strides = array<i32>} : memref<128x128xi32, #tpu.memory_space<vmem>>, vector<16xi32>,
        %gather3A_155 = tpu.vector_load_idx %arg5[%get3A_154] : memref<100000xf32, #tpu.memory_space<vmem>>[vector<16xi32>], vector<16xf32>,
        %mul3A_156 = arith.constant 128 : i32
        %mul3A_157 = arith.muli %scan3A_142, %mul3A_156 : i32
        %add3A_158 = arith.constant 16 : i32
        %add3A_159 = arith.addi %mul3A_157, %add3A_158 : i32
        %swap3A_160 = arith.index_cast %add3A_159 : i32 to index
        %swap3A_161 = tpu.vector_load %arg7[%swap3A_160] {strides = array<i32>} : memref<4096xf32, #tpu.memory_space<vmem>>, vector<16xf32>,
        tpu.vector_store %arg7[%swap3A_160], %gather3A_155 {strides = array<i32>} : memref<4096xf32, #tpu.memory_space<vmem>>, vector<16xf32>,
        %get3A_162 = arith.index_cast %add3A_144 : i32 to index
        %get3A_163 = arith.constant 32 : index
        %get3A_164 = tpu.vector_load %arg6[%get3A_162, %get3A_163] {strides = array<i32>} : memref<128x128xi32, #tpu.memory_space<vmem>>, vector<16xi32>,
        %gather3A_165 = tpu.vector_load_idx %arg5[%get3A_164] : memref<100000xf32, #tpu.memory_space<vmem>>[vector<16xi32>], vector<16xf32>,
        %mul3A_166 = arith.constant 128 : i32
        %mul3A_167 = arith.muli %scan3A_142, %mul3A_166 : i32
        %add3A_168 = arith.constant 32 : i32
        %add3A_169 = arith.addi %mul3A_167, %add3A_168 : i32
        %swap3A_170 = arith.index_cast %add3A_169 : i32 to index
        %swap3A_171 = tpu.vector_load %arg7[%swap3A_170] {strides = array<i32>} : memref<4096xf32, #tpu.memory_space<vmem>>, vector<16xf32>,
        tpu.vector_store %arg7[%swap3A_170], %gather3A_165 {strides = array<i32>} : memref<4096xf32, #tpu.memory_space<vmem>>, vector<16xf32>,
        %get3A_172 = arith.index_cast %add3A_144 : i32 to index
        %get3A_173 = arith.constant 48 : index
        %get3A_174 = tpu.vector_load %arg6[%get3A_172, %get3A_173] {strides = array<i32>} : memref<128x128xi32, #tpu.memory_space<vmem>>, vector<16xi32>,
        %gather3A_175 = tpu.vector_load_idx %arg5[%get3A_174] : memref<100000xf32, #tpu.memory_space<vmem>>[vector<16xi32>], vector<16xf32>,
        %mul3A_176 = arith.constant 128 : i32
        %mul3A_177 = arith.muli %scan3A_142, %mul3A_176 : i32
        %add3A_178 = arith.constant 48 : i32
        %add3A_179 = arith.addi %mul3A_177, %add3A_178 : i32
        %swap3A_180 = arith.index_cast %add3A_179 : i32 to index
        %swap3A_181 = tpu.vector_load %arg7[%swap3A_180] {strides = array<i32>} : memref<4096xf32, #tpu.memory_space<vmem>>, vector<16xf32>,
        tpu.vector_store %arg7[%swap3A_180], %gather3A_175 {strides = array<i32>} : memref<4096xf32, #tpu.memory_space<vmem>>, vector<16xf32>,
        %get3A_182 = arith.index_cast %add3A_144 : i32 to index
        %get3A_183 = arith.constant 64 : index
        %get3A_184 = tpu.vector_load %arg6[%get3A_182, %get3A_183] {strides = array<i32>} : memref<128x128xi32, #tpu.memory_space<vmem>>, vector<16xi32>,
        %gather3A_185 = tpu.vector_load_idx %arg5[%get3A_184] : memref<100000xf32, #tpu.memory_space<vmem>>[vector<16xi32>], vector<16xf32>,
        %mul3A_186 = arith.constant 128 : i32
        %mul3A_187 = arith.muli %scan3A_142, %mul3A_186 : i32
        %add3A_188 = arith.constant 64 : i32
        %add3A_189 = arith.addi %mul3A_187, %add3A_188 : i32
        %swap3A_190 = arith.index_cast %add3A_189 : i32 to index
        %swap3A_191 = tpu.vector_load %arg7[%swap3A_190] {strides = array<i32>} : memref<4096xf32, #tpu.memory_space<vmem>>, vector<16xf32>,
        tpu.vector_store %arg7[%swap3A_190], %gather3A_185 {strides = array<i32>} : memref<4096xf32, #tpu.memory_space<vmem>>, vector<16xf32>,
        %get3A_192 = arith.index_cast %add3A_144 : i32 to index
        %get3A_193 = arith.constant 80 : index
        %get3A_194 = tpu.vector_load %arg6[%get3A_192, %get3A_193] {strides = array<i32>} : memref<128x128xi32, #tpu.memory_space<vmem>>, vector<16xi32>,
        %gather3A_195 = tpu.vector_load_idx %arg5[%get3A_194] : memref<100000xf32, #tpu.memory_space<vmem>>[vector<16xi32>], vector<16xf32>,
        %mul3A_196 = arith.constant 128 : i32
        %mul3A_197 = arith.muli %scan3A_142, %mul3A_196 : i32
        %add3A_198 = arith.constant 80 : i32
        %add3A_199 = arith.addi %mul3A_197, %add3A_198 : i32
        %swap3A_200 = arith.index_cast %add3A_199 : i32 to index
        %swap3A_201 = tpu.vector_load %arg7[%swap3A_200] {strides = array<i32>} : memref<4096xf32, #tpu.memory_space<vmem>>, vector<16xf32>,
        tpu.vector_store %arg7[%swap3A_200], %gather3A_195 {strides = array<i32>} : memref<4096xf32, #tpu.memory_space<vmem>>, vector<16xf32>,
        %get3A_202 = arith.index_cast %add3A_144 : i32 to index
        %get3A_203 = arith.constant 96 : index
        %get3A_204 = tpu.vector_load %arg6[%get3A_202, %get3A_203] {strides = array<i32>} : memref<128x128xi32, #tpu.memory_space<vmem>>, vector<16xi32>,
        %gather3A_205 = tpu.vector_load_idx %arg5[%get3A_204] : memref<100000xf32, #tpu.memory_space<vmem>>[vector<16xi32>], vector<16xf32>,
        %mul3A_206 = arith.constant 128 : i32
        %mul3A_207 = arith.muli %scan3A_142, %mul3A_206 : i32
        %add3A_208 = arith.constant 96 : i32
        %add3A_209 = arith.addi %mul3A_207, %add3A_208 : i32
        %swap3A_210 = arith.index_cast %add3A_209 : i32 to index
        %swap3A_211 = tpu.vector_load %arg7[%swap3A_210] {strides = array<i32>} : memref<4096xf32, #tpu.memory_space<vmem>>, vector<16xf32>,
        tpu.vector_store %arg7[%swap3A_210], %gather3A_205 {strides = array<i32>} : memref<4096xf32, #tpu.memory_space<vmem>>, vector<16xf32>,
        %get3A_212 = arith.index_cast %add3A_144 : i32 to index
        %get3A_213 = arith.constant 112 : index
        %get3A_214 = tpu.vector_load %arg6[%get3A_212, %get3A_213] {strides = array<i32>} : memref<128x128xi32, #tpu.memory_space<vmem>>, vector<16xi32>,
        %gather3A_215 = tpu.vector_load_idx %arg5[%get3A_214] : memref<100000xf32, #tpu.memory_space<vmem>>[vector<16xi32>], vector<16xf32>,
        %mul3A_216 = arith.constant 128 : i32
        %mul3A_217 = arith.muli %scan3A_142, %mul3A_216 : i32
        %add3A_218 = arith.constant 112 : i32
        %add3A_219 = arith.addi %mul3A_217, %add3A_218 : i32
        %swap3A_220 = arith.index_cast %add3A_219 : i32 to index
        %swap3A_221 = tpu.vector_load %arg7[%swap3A_220] {strides = array<i32>} : memref<4096xf32, #tpu.memory_space<vmem>>, vector<16xf32>,
        tpu.vector_store %arg7[%swap3A_220], %gather3A_215 {strides = array<i32>} : memref<4096xf32, #tpu.memory_space<vmem>>, vector<16xf32>,
      }
      %scan3A_82 = arith.constant 32 : i32
      %dma_start3A_83 = arith.constant 0 : i32
      %dma_start3A_84 = tpu.memref_slice %arg4[%select_n3A, %select_n3A_59, %dma_start3A_83] : memref<26x32x16384xf32, #tpu.memory_space<hbm>> -> memref<1x1x4096xf32, #tpu.memory_space<hbm>>
      %dma_start3A_85 = tpu.memref_squeeze %dma_start3A_84 : memref<1x1x4096xf32, #tpu.memory_space<hbm>> -> memref<4096xf32, #tpu.memory_space<hbm>>
      %dma_start3A_86 = arith.constant 0 : i32
      %dma_start3A_87 = tpu.memref_slice %arg4[%select_n3A, %select_n3A_59, %dma_start3A_86] : memref<26x32x16384xf32, #tpu.memory_space<hbm>> -> memref<1x1x4096xf32, #tpu.memory_space<hbm>>
      %dma_start3A_88 = tpu.memref_squeeze %dma_start3A_87 : memref<1x1x4096xf32, #tpu.memory_space<hbm>> -> memref<4096xf32, #tpu.memory_space<hbm>>
      tpu.enqueue_dma source(%arg7 : memref<4096xf32, #tpu.memory_space<vmem>>) target(%dma_start3A_88 : memref<4096xf32, #tpu.memory_space<hbm>>) target_semaphore(%arg10 : memref<!tpu.dma_semaphore, #tpu.memory_space<semaphore_mem>>)
      %gt3A_89 = arith.constant 0 : i32
      %gt3A_90 = arith.cmpi sgt, %scan3A_22, %gt3A_89 : i32
      %convert_element_type3A_91 = arith.extui %gt3A_90 : i1 to i32
      %cond3A_92 = arith.constant 0 : i32
      %cond3A_93 = arith.cmpi ne, %convert_element_type3A_91, %cond3A_92 : i32
      scf.if %cond3A_93 {
        %dma_wait3A_142 = arith.constant 12288 : i32
        %dma_wait3A_143 = tpu.memref_slice %arg4[%select_n3A, %select_n3A_59, %dma_wait3A_142] : memref<26x32x16384xf32, #tpu.memory_space<hbm>> -> memref<1x1x4096xf32, #tpu.memory_space<hbm>>
        %dma_wait3A_144 = tpu.memref_squeeze %dma_wait3A_143 : memref<1x1x4096xf32, #tpu.memory_space<hbm>> -> memref<4096xf32, #tpu.memory_space<hbm>>
        %dma_wait3A_145 = arith.constant 12288 : i32
        %dma_wait3A_146 = tpu.memref_slice %arg4[%select_n3A, %select_n3A_59, %dma_wait3A_145] : memref<26x32x16384xf32, #tpu.memory_space<hbm>> -> memref<1x1x4096xf32, #tpu.memory_space<hbm>>
        %dma_wait3A_147 = tpu.memref_squeeze %dma_wait3A_146 : memref<1x1x4096xf32, #tpu.memory_space<hbm>> -> memref<4096xf32, #tpu.memory_space<hbm>>
        tpu.wait_dma2 semaphore(%arg11 : memref<!tpu.dma_semaphore, #tpu.memory_space<semaphore_mem>>) src(%arg8 : memref<4096xf32, #tpu.memory_space<vmem>>) dst(%dma_wait3A_147 : memref<4096xf32, #tpu.memory_space<hbm>>)
      } else {
      }
      %scan3A_94 = arith.constant 0 : i32
      %scan3A_95 = arith.constant 0 : i32
      %scan3A_96 = arith.constant 32 : i32
      %scan3A_97 = arith.addi %scan3A_95, %scan3A_96 : i32
      %scan3A_98 = arith.constant 1 : i32
      scf.for %scan3A_142 = %scan3A_95 to %scan3A_97 step %scan3A_98  : i32 {
        %add3A_143 = arith.constant 32 : i32
        %add3A_144 = arith.addi %add3A_143, %scan3A_142 : i32
        %get3A = arith.index_cast %add3A_144 : i32 to index
        %get3A_145 = arith.constant 0 : index
        %get3A_146 = tpu.vector_load %arg6[%get3A, %get3A_145] {strides = array<i32>} : memref<128x128xi32, #tpu.memory_space<vmem>>, vector<16xi32>,
        %gather3A = tpu.vector_load_idx %arg5[%get3A_146] : memref<100000xf32, #tpu.memory_space<vmem>>[vector<16xi32>], vector<16xf32>,
        %mul3A_147 = arith.constant 128 : i32
        %mul3A_148 = arith.muli %scan3A_142, %mul3A_147 : i32
        %add3A_149 = arith.constant 0 : i32
        %add3A_150 = arith.addi %mul3A_148, %add3A_149 : i32
        %swap3A = arith.index_cast %add3A_150 : i32 to index
        %swap3A_151 = tpu.vector_load %arg8[%swap3A] {strides = array<i32>} : memref<4096xf32, #tpu.memory_space<vmem>>, vector<16xf32>,
        tpu.vector_store %arg8[%swap3A], %gather3A {strides = array<i32>} : memref<4096xf32, #tpu.memory_space<vmem>>, vector<16xf32>,
        %get3A_152 = arith.index_cast %add3A_144 : i32 to index
        %get3A_153 = arith.constant 16 : index
        %get3A_154 = tpu.vector_load %arg6[%get3A_152, %get3A_153] {strides = array<i32>} : memref<128x128xi32, #tpu.memory_space<vmem>>, vector<16xi32>,
        %gather3A_155 = tpu.vector_load_idx %arg5[%get3A_154] : memref<100000xf32, #tpu.memory_space<vmem>>[vector<16xi32>], vector<16xf32>,
        %mul3A_156 = arith.constant 128 : i32
        %mul3A_157 = arith.muli %scan3A_142, %mul3A_156 : i32
        %add3A_158 = arith.constant 16 : i32
        %add3A_159 = arith.addi %mul3A_157, %add3A_158 : i32
        %swap3A_160 = arith.index_cast %add3A_159 : i32 to index
        %swap3A_161 = tpu.vector_load %arg8[%swap3A_160] {strides = array<i32>} : memref<4096xf32, #tpu.memory_space<vmem>>, vector<16xf32>,
        tpu.vector_store %arg8[%swap3A_160], %gather3A_155 {strides = array<i32>} : memref<4096xf32, #tpu.memory_space<vmem>>, vector<16xf32>,
        %get3A_162 = arith.index_cast %add3A_144 : i32 to index
        %get3A_163 = arith.constant 32 : index
        %get3A_164 = tpu.vector_load %arg6[%get3A_162, %get3A_163] {strides = array<i32>} : memref<128x128xi32, #tpu.memory_space<vmem>>, vector<16xi32>,
        %gather3A_165 = tpu.vector_load_idx %arg5[%get3A_164] : memref<100000xf32, #tpu.memory_space<vmem>>[vector<16xi32>], vector<16xf32>,
        %mul3A_166 = arith.constant 128 : i32
        %mul3A_167 = arith.muli %scan3A_142, %mul3A_166 : i32
        %add3A_168 = arith.constant 32 : i32
        %add3A_169 = arith.addi %mul3A_167, %add3A_168 : i32
        %swap3A_170 = arith.index_cast %add3A_169 : i32 to index
        %swap3A_171 = tpu.vector_load %arg8[%swap3A_170] {strides = array<i32>} : memref<4096xf32, #tpu.memory_space<vmem>>, vector<16xf32>,
        tpu.vector_store %arg8[%swap3A_170], %gather3A_165 {strides = array<i32>} : memref<4096xf32, #tpu.memory_space<vmem>>, vector<16xf32>,
        %get3A_172 = arith.index_cast %add3A_144 : i32 to index
        %get3A_173 = arith.constant 48 : index
        %get3A_174 = tpu.vector_load %arg6[%get3A_172, %get3A_173] {strides = array<i32>} : memref<128x128xi32, #tpu.memory_space<vmem>>, vector<16xi32>,
        %gather3A_175 = tpu.vector_load_idx %arg5[%get3A_174] : memref<100000xf32, #tpu.memory_space<vmem>>[vector<16xi32>], vector<16xf32>,
        %mul3A_176 = arith.constant 128 : i32
        %mul3A_177 = arith.muli %scan3A_142, %mul3A_176 : i32
        %add3A_178 = arith.constant 48 : i32
        %add3A_179 = arith.addi %mul3A_177, %add3A_178 : i32
        %swap3A_180 = arith.index_cast %add3A_179 : i32 to index
        %swap3A_181 = tpu.vector_load %arg8[%swap3A_180] {strides = array<i32>} : memref<4096xf32, #tpu.memory_space<vmem>>, vector<16xf32>,
        tpu.vector_store %arg8[%swap3A_180], %gather3A_175 {strides = array<i32>} : memref<4096xf32, #tpu.memory_space<vmem>>, vector<16xf32>,
        %get3A_182 = arith.index_cast %add3A_144 : i32 to index
        %get3A_183 = arith.constant 64 : index
        %get3A_184 = tpu.vector_load %arg6[%get3A_182, %get3A_183] {strides = array<i32>} : memref<128x128xi32, #tpu.memory_space<vmem>>, vector<16xi32>,
        %gather3A_185 = tpu.vector_load_idx %arg5[%get3A_184] : memref<100000xf32, #tpu.memory_space<vmem>>[vector<16xi32>], vector<16xf32>,
        %mul3A_186 = arith.constant 128 : i32
        %mul3A_187 = arith.muli %scan3A_142, %mul3A_186 : i32
        %add3A_188 = arith.constant 64 : i32
        %add3A_189 = arith.addi %mul3A_187, %add3A_188 : i32
        %swap3A_190 = arith.index_cast %add3A_189 : i32 to index
        %swap3A_191 = tpu.vector_load %arg8[%swap3A_190] {strides = array<i32>} : memref<4096xf32, #tpu.memory_space<vmem>>, vector<16xf32>,
        tpu.vector_store %arg8[%swap3A_190], %gather3A_185 {strides = array<i32>} : memref<4096xf32, #tpu.memory_space<vmem>>, vector<16xf32>,
        %get3A_192 = arith.index_cast %add3A_144 : i32 to index
        %get3A_193 = arith.constant 80 : index
        %get3A_194 = tpu.vector_load %arg6[%get3A_192, %get3A_193] {strides = array<i32>} : memref<128x128xi32, #tpu.memory_space<vmem>>, vector<16xi32>,
        %gather3A_195 = tpu.vector_load_idx %arg5[%get3A_194] : memref<100000xf32, #tpu.memory_space<vmem>>[vector<16xi32>], vector<16xf32>,
        %mul3A_196 = arith.constant 128 : i32
        %mul3A_197 = arith.muli %scan3A_142, %mul3A_196 : i32
        %add3A_198 = arith.constant 80 : i32
        %add3A_199 = arith.addi %mul3A_197, %add3A_198 : i32
        %swap3A_200 = arith.index_cast %add3A_199 : i32 to index
        %swap3A_201 = tpu.vector_load %arg8[%swap3A_200] {strides = array<i32>} : memref<4096xf32, #tpu.memory_space<vmem>>, vector<16xf32>,
        tpu.vector_store %arg8[%swap3A_200], %gather3A_195 {strides = array<i32>} : memref<4096xf32, #tpu.memory_space<vmem>>, vector<16xf32>,
        %get3A_202 = arith.index_cast %add3A_144 : i32 to index
        %get3A_203 = arith.constant 96 : index
        %get3A_204 = tpu.vector_load %arg6[%get3A_202, %get3A_203] {strides = array<i32>} : memref<128x128xi32, #tpu.memory_space<vmem>>, vector<16xi32>,
        %gather3A_205 = tpu.vector_load_idx %arg5[%get3A_204] : memref<100000xf32, #tpu.memory_space<vmem>>[vector<16xi32>], vector<16xf32>,
        %mul3A_206 = arith.constant 128 : i32
        %mul3A_207 = arith.muli %scan3A_142, %mul3A_206 : i32
        %add3A_208 = arith.constant 96 : i32
        %add3A_209 = arith.addi %mul3A_207, %add3A_208 : i32
        %swap3A_210 = arith.index_cast %add3A_209 : i32 to index
        %swap3A_211 = tpu.vector_load %arg8[%swap3A_210] {strides = array<i32>} : memref<4096xf32, #tpu.memory_space<vmem>>, vector<16xf32>,
        tpu.vector_store %arg8[%swap3A_210], %gather3A_205 {strides = array<i32>} : memref<4096xf32, #tpu.memory_space<vmem>>, vector<16xf32>,
        %get3A_212 = arith.index_cast %add3A_144 : i32 to index
        %get3A_213 = arith.constant 112 : index
        %get3A_214 = tpu.vector_load %arg6[%get3A_212, %get3A_213] {strides = array<i32>} : memref<128x128xi32, #tpu.memory_space<vmem>>, vector<16xi32>,
        %gather3A_215 = tpu.vector_load_idx %arg5[%get3A_214] : memref<100000xf32, #tpu.memory_space<vmem>>[vector<16xi32>], vector<16xf32>,
        %mul3A_216 = arith.constant 128 : i32
        %mul3A_217 = arith.muli %scan3A_142, %mul3A_216 : i32
        %add3A_218 = arith.constant 112 : i32
        %add3A_219 = arith.addi %mul3A_217, %add3A_218 : i32
        %swap3A_220 = arith.index_cast %add3A_219 : i32 to index
        %swap3A_221 = tpu.vector_load %arg8[%swap3A_220] {strides = array<i32>} : memref<4096xf32, #tpu.memory_space<vmem>>, vector<16xf32>,
        tpu.vector_store %arg8[%swap3A_220], %gather3A_215 {strides = array<i32>} : memref<4096xf32, #tpu.memory_space<vmem>>, vector<16xf32>,
      }
      %scan3A_99 = arith.constant 32 : i32
      %dma_start3A_100 = arith.constant 4096 : i32
      %dma_start3A_101 = tpu.memref_slice %arg4[%select_n3A, %select_n3A_59, %dma_start3A_100] : memref<26x32x16384xf32, #tpu.memory_space<hbm>> -> memref<1x1x4096xf32, #tpu.memory_space<hbm>>
      %dma_start3A_102 = tpu.memref_squeeze %dma_start3A_101 : memref<1x1x4096xf32, #tpu.memory_space<hbm>> -> memref<4096xf32, #tpu.memory_space<hbm>>
      %dma_start3A_103 = arith.constant 4096 : i32
      %dma_start3A_104 = tpu.memref_slice %arg4[%select_n3A, %select_n3A_59, %dma_start3A_103] : memref<26x32x16384xf32, #tpu.memory_space<hbm>> -> memref<1x1x4096xf32, #tpu.memory_space<hbm>>
      %dma_start3A_105 = tpu.memref_squeeze %dma_start3A_104 : memref<1x1x4096xf32, #tpu.memory_space<hbm>> -> memref<4096xf32, #tpu.memory_space<hbm>>
      tpu.enqueue_dma source(%arg8 : memref<4096xf32, #tpu.memory_space<vmem>>) target(%dma_start3A_105 : memref<4096xf32, #tpu.memory_space<hbm>>) target_semaphore(%arg11 : memref<!tpu.dma_semaphore, #tpu.memory_space<semaphore_mem>>)
      %dma_wait3A_106 = arith.constant 0 : i32
      %dma_wait3A_107 = tpu.memref_slice %arg4[%select_n3A, %select_n3A_59, %dma_wait3A_106] : memref<26x32x16384xf32, #tpu.memory_space<hbm>> -> memref<1x1x4096xf32, #tpu.memory_space<hbm>>
      %dma_wait3A_108 = tpu.memref_squeeze %dma_wait3A_107 : memref<1x1x4096xf32, #tpu.memory_space<hbm>> -> memref<4096xf32, #tpu.memory_space<hbm>>
      %dma_wait3A_109 = arith.constant 0 : i32
      %dma_wait3A_110 = tpu.memref_slice %arg4[%select_n3A, %select_n3A_59, %dma_wait3A_109] : memref<26x32x16384xf32, #tpu.memory_space<hbm>> -> memref<1x1x4096xf32, #tpu.memory_space<hbm>>
      %dma_wait3A_111 = tpu.memref_squeeze %dma_wait3A_110 : memref<1x1x4096xf32, #tpu.memory_space<hbm>> -> memref<4096xf32, #tpu.memory_space<hbm>>
      tpu.wait_dma2 semaphore(%arg10 : memref<!tpu.dma_semaphore, #tpu.memory_space<semaphore_mem>>) src(%arg7 : memref<4096xf32, #tpu.memory_space<vmem>>) dst(%dma_wait3A_111 : memref<4096xf32, #tpu.memory_space<hbm>>)
      %scan3A_112 = arith.constant 0 : i32
      %scan3A_113 = arith.constant 0 : i32
      %scan3A_114 = arith.constant 32 : i32
      %scan3A_115 = arith.addi %scan3A_113, %scan3A_114 : i32
      %scan3A_116 = arith.constant 1 : i32
      scf.for %scan3A_142 = %scan3A_113 to %scan3A_115 step %scan3A_116  : i32 {
        %add3A_143 = arith.constant 64 : i32
        %add3A_144 = arith.addi %add3A_143, %scan3A_142 : i32
        %get3A = arith.index_cast %add3A_144 : i32 to index
        %get3A_145 = arith.constant 0 : index
        %get3A_146 = tpu.vector_load %arg6[%get3A, %get3A_145] {strides = array<i32>} : memref<128x128xi32, #tpu.memory_space<vmem>>, vector<16xi32>,
        %gather3A = tpu.vector_load_idx %arg5[%get3A_146] : memref<100000xf32, #tpu.memory_space<vmem>>[vector<16xi32>], vector<16xf32>,
        %mul3A_147 = arith.constant 128 : i32
        %mul3A_148 = arith.muli %scan3A_142, %mul3A_147 : i32
        %add3A_149 = arith.constant 0 : i32
        %add3A_150 = arith.addi %mul3A_148, %add3A_149 : i32
        %swap3A = arith.index_cast %add3A_150 : i32 to index
        %swap3A_151 = tpu.vector_load %arg7[%swap3A] {strides = array<i32>} : memref<4096xf32, #tpu.memory_space<vmem>>, vector<16xf32>,
        tpu.vector_store %arg7[%swap3A], %gather3A {strides = array<i32>} : memref<4096xf32, #tpu.memory_space<vmem>>, vector<16xf32>,
        %get3A_152 = arith.index_cast %add3A_144 : i32 to index
        %get3A_153 = arith.constant 16 : index
        %get3A_154 = tpu.vector_load %arg6[%get3A_152, %get3A_153] {strides = array<i32>} : memref<128x128xi32, #tpu.memory_space<vmem>>, vector<16xi32>,
        %gather3A_155 = tpu.vector_load_idx %arg5[%get3A_154] : memref<100000xf32, #tpu.memory_space<vmem>>[vector<16xi32>], vector<16xf32>,
        %mul3A_156 = arith.constant 128 : i32
        %mul3A_157 = arith.muli %scan3A_142, %mul3A_156 : i32
        %add3A_158 = arith.constant 16 : i32
        %add3A_159 = arith.addi %mul3A_157, %add3A_158 : i32
        %swap3A_160 = arith.index_cast %add3A_159 : i32 to index
        %swap3A_161 = tpu.vector_load %arg7[%swap3A_160] {strides = array<i32>} : memref<4096xf32, #tpu.memory_space<vmem>>, vector<16xf32>,
        tpu.vector_store %arg7[%swap3A_160], %gather3A_155 {strides = array<i32>} : memref<4096xf32, #tpu.memory_space<vmem>>, vector<16xf32>,
        %get3A_162 = arith.index_cast %add3A_144 : i32 to index
        %get3A_163 = arith.constant 32 : index
        %get3A_164 = tpu.vector_load %arg6[%get3A_162, %get3A_163] {strides = array<i32>} : memref<128x128xi32, #tpu.memory_space<vmem>>, vector<16xi32>,
        %gather3A_165 = tpu.vector_load_idx %arg5[%get3A_164] : memref<100000xf32, #tpu.memory_space<vmem>>[vector<16xi32>], vector<16xf32>,
        %mul3A_166 = arith.constant 128 : i32
        %mul3A_167 = arith.muli %scan3A_142, %mul3A_166 : i32
        %add3A_168 = arith.constant 32 : i32
        %add3A_169 = arith.addi %mul3A_167, %add3A_168 : i32
        %swap3A_170 = arith.index_cast %add3A_169 : i32 to index
        %swap3A_171 = tpu.vector_load %arg7[%swap3A_170] {strides = array<i32>} : memref<4096xf32, #tpu.memory_space<vmem>>, vector<16xf32>,
        tpu.vector_store %arg7[%swap3A_170], %gather3A_165 {strides = array<i32>} : memref<4096xf32, #tpu.memory_space<vmem>>, vector<16xf32>,
        %get3A_172 = arith.index_cast %add3A_144 : i32 to index
        %get3A_173 = arith.constant 48 : index
        %get3A_174 = tpu.vector_load %arg6[%get3A_172, %get3A_173] {strides = array<i32>} : memref<128x128xi32, #tpu.memory_space<vmem>>, vector<16xi32>,
        %gather3A_175 = tpu.vector_load_idx %arg5[%get3A_174] : memref<100000xf32, #tpu.memory_space<vmem>>[vector<16xi32>], vector<16xf32>,
        %mul3A_176 = arith.constant 128 : i32
        %mul3A_177 = arith.muli %scan3A_142, %mul3A_176 : i32
        %add3A_178 = arith.constant 48 : i32
        %add3A_179 = arith.addi %mul3A_177, %add3A_178 : i32
        %swap3A_180 = arith.index_cast %add3A_179 : i32 to index
        %swap3A_181 = tpu.vector_load %arg7[%swap3A_180] {strides = array<i32>} : memref<4096xf32, #tpu.memory_space<vmem>>, vector<16xf32>,
        tpu.vector_store %arg7[%swap3A_180], %gather3A_175 {strides = array<i32>} : memref<4096xf32, #tpu.memory_space<vmem>>, vector<16xf32>,
        %get3A_182 = arith.index_cast %add3A_144 : i32 to index
        %get3A_183 = arith.constant 64 : index
        %get3A_184 = tpu.vector_load %arg6[%get3A_182, %get3A_183] {strides = array<i32>} : memref<128x128xi32, #tpu.memory_space<vmem>>, vector<16xi32>,
        %gather3A_185 = tpu.vector_load_idx %arg5[%get3A_184] : memref<100000xf32, #tpu.memory_space<vmem>>[vector<16xi32>], vector<16xf32>,
        %mul3A_186 = arith.constant 128 : i32
        %mul3A_187 = arith.muli %scan3A_142, %mul3A_186 : i32
        %add3A_188 = arith.constant 64 : i32
        %add3A_189 = arith.addi %mul3A_187, %add3A_188 : i32
        %swap3A_190 = arith.index_cast %add3A_189 : i32 to index
        %swap3A_191 = tpu.vector_load %arg7[%swap3A_190] {strides = array<i32>} : memref<4096xf32, #tpu.memory_space<vmem>>, vector<16xf32>,
        tpu.vector_store %arg7[%swap3A_190], %gather3A_185 {strides = array<i32>} : memref<4096xf32, #tpu.memory_space<vmem>>, vector<16xf32>,
        %get3A_192 = arith.index_cast %add3A_144 : i32 to index
        %get3A_193 = arith.constant 80 : index
        %get3A_194 = tpu.vector_load %arg6[%get3A_192, %get3A_193] {strides = array<i32>} : memref<128x128xi32, #tpu.memory_space<vmem>>, vector<16xi32>,
        %gather3A_195 = tpu.vector_load_idx %arg5[%get3A_194] : memref<100000xf32, #tpu.memory_space<vmem>>[vector<16xi32>], vector<16xf32>,
        %mul3A_196 = arith.constant 128 : i32
        %mul3A_197 = arith.muli %scan3A_142, %mul3A_196 : i32
        %add3A_198 = arith.constant 80 : i32
        %add3A_199 = arith.addi %mul3A_197, %add3A_198 : i32
        %swap3A_200 = arith.index_cast %add3A_199 : i32 to index
        %swap3A_201 = tpu.vector_load %arg7[%swap3A_200] {strides = array<i32>} : memref<4096xf32, #tpu.memory_space<vmem>>, vector<16xf32>,
        tpu.vector_store %arg7[%swap3A_200], %gather3A_195 {strides = array<i32>} : memref<4096xf32, #tpu.memory_space<vmem>>, vector<16xf32>,
        %get3A_202 = arith.index_cast %add3A_144 : i32 to index
        %get3A_203 = arith.constant 96 : index
        %get3A_204 = tpu.vector_load %arg6[%get3A_202, %get3A_203] {strides = array<i32>} : memref<128x128xi32, #tpu.memory_space<vmem>>, vector<16xi32>,
        %gather3A_205 = tpu.vector_load_idx %arg5[%get3A_204] : memref<100000xf32, #tpu.memory_space<vmem>>[vector<16xi32>], vector<16xf32>,
        %mul3A_206 = arith.constant 128 : i32
        %mul3A_207 = arith.muli %scan3A_142, %mul3A_206 : i32
        %add3A_208 = arith.constant 96 : i32
        %add3A_209 = arith.addi %mul3A_207, %add3A_208 : i32
        %swap3A_210 = arith.index_cast %add3A_209 : i32 to index
        %swap3A_211 = tpu.vector_load %arg7[%swap3A_210] {strides = array<i32>} : memref<4096xf32, #tpu.memory_space<vmem>>, vector<16xf32>,
        tpu.vector_store %arg7[%swap3A_210], %gather3A_205 {strides = array<i32>} : memref<4096xf32, #tpu.memory_space<vmem>>, vector<16xf32>,
        %get3A_212 = arith.index_cast %add3A_144 : i32 to index
        %get3A_213 = arith.constant 112 : index
        %get3A_214 = tpu.vector_load %arg6[%get3A_212, %get3A_213] {strides = array<i32>} : memref<128x128xi32, #tpu.memory_space<vmem>>, vector<16xi32>,
        %gather3A_215 = tpu.vector_load_idx %arg5[%get3A_214] : memref<100000xf32, #tpu.memory_space<vmem>>[vector<16xi32>], vector<16xf32>,
        %mul3A_216 = arith.constant 128 : i32
        %mul3A_217 = arith.muli %scan3A_142, %mul3A_216 : i32
        %add3A_218 = arith.constant 112 : i32
        %add3A_219 = arith.addi %mul3A_217, %add3A_218 : i32
        %swap3A_220 = arith.index_cast %add3A_219 : i32 to index
        %swap3A_221 = tpu.vector_load %arg7[%swap3A_220] {strides = array<i32>} : memref<4096xf32, #tpu.memory_space<vmem>>, vector<16xf32>,
        tpu.vector_store %arg7[%swap3A_220], %gather3A_215 {strides = array<i32>} : memref<4096xf32, #tpu.memory_space<vmem>>, vector<16xf32>,
      }
      %scan3A_117 = arith.constant 32 : i32
      %dma_start3A_118 = arith.constant 8192 : i32
      %dma_start3A_119 = tpu.memref_slice %arg4[%select_n3A, %select_n3A_59, %dma_start3A_118] : memref<26x32x16384xf32, #tpu.memory_space<hbm>> -> memref<1x1x4096xf32, #tpu.memory_space<hbm>>
      %dma_start3A_120 = tpu.memref_squeeze %dma_start3A_119 : memref<1x1x4096xf32, #tpu.memory_space<hbm>> -> memref<4096xf32, #tpu.memory_space<hbm>>
      %dma_start3A_121 = arith.constant 8192 : i32
      %dma_start3A_122 = tpu.memref_slice %arg4[%select_n3A, %select_n3A_59, %dma_start3A_121] : memref<26x32x16384xf32, #tpu.memory_space<hbm>> -> memref<1x1x4096xf32, #tpu.memory_space<hbm>>
      %dma_start3A_123 = tpu.memref_squeeze %dma_start3A_122 : memref<1x1x4096xf32, #tpu.memory_space<hbm>> -> memref<4096xf32, #tpu.memory_space<hbm>>
      tpu.enqueue_dma source(%arg7 : memref<4096xf32, #tpu.memory_space<vmem>>) target(%dma_start3A_123 : memref<4096xf32, #tpu.memory_space<hbm>>) target_semaphore(%arg10 : memref<!tpu.dma_semaphore, #tpu.memory_space<semaphore_mem>>)
      %dma_wait3A_124 = arith.constant 4096 : i32
      %dma_wait3A_125 = tpu.memref_slice %arg4[%select_n3A, %select_n3A_59, %dma_wait3A_124] : memref<26x32x16384xf32, #tpu.memory_space<hbm>> -> memref<1x1x4096xf32, #tpu.memory_space<hbm>>
      %dma_wait3A_126 = tpu.memref_squeeze %dma_wait3A_125 : memref<1x1x4096xf32, #tpu.memory_space<hbm>> -> memref<4096xf32, #tpu.memory_space<hbm>>
      %dma_wait3A_127 = arith.constant 4096 : i32
      %dma_wait3A_128 = tpu.memref_slice %arg4[%select_n3A, %select_n3A_59, %dma_wait3A_127] : memref<26x32x16384xf32, #tpu.memory_space<hbm>> -> memref<1x1x4096xf32, #tpu.memory_space<hbm>>
      %dma_wait3A_129 = tpu.memref_squeeze %dma_wait3A_128 : memref<1x1x4096xf32, #tpu.memory_space<hbm>> -> memref<4096xf32, #tpu.memory_space<hbm>>
      tpu.wait_dma2 semaphore(%arg11 : memref<!tpu.dma_semaphore, #tpu.memory_space<semaphore_mem>>) src(%arg8 : memref<4096xf32, #tpu.memory_space<vmem>>) dst(%dma_wait3A_129 : memref<4096xf32, #tpu.memory_space<hbm>>)
      %scan3A_130 = arith.constant 0 : i32
      %scan3A_131 = arith.constant 0 : i32
      %scan3A_132 = arith.constant 32 : i32
      %scan3A_133 = arith.addi %scan3A_131, %scan3A_132 : i32
      %scan3A_134 = arith.constant 1 : i32
      scf.for %scan3A_142 = %scan3A_131 to %scan3A_133 step %scan3A_134  : i32 {
        %add3A_143 = arith.constant 96 : i32
        %add3A_144 = arith.addi %add3A_143, %scan3A_142 : i32
        %get3A = arith.index_cast %add3A_144 : i32 to index
        %get3A_145 = arith.constant 0 : index
        %get3A_146 = tpu.vector_load %arg6[%get3A, %get3A_145] {strides = array<i32>} : memref<128x128xi32, #tpu.memory_space<vmem>>, vector<16xi32>,
        %gather3A = tpu.vector_load_idx %arg5[%get3A_146] : memref<100000xf32, #tpu.memory_space<vmem>>[vector<16xi32>], vector<16xf32>,
        %mul3A_147 = arith.constant 128 : i32
        %mul3A_148 = arith.muli %scan3A_142, %mul3A_147 : i32
        %add3A_149 = arith.constant 0 : i32
        %add3A_150 = arith.addi %mul3A_148, %add3A_149 : i32
        %swap3A = arith.index_cast %add3A_150 : i32 to index
        %swap3A_151 = tpu.vector_load %arg8[%swap3A] {strides = array<i32>} : memref<4096xf32, #tpu.memory_space<vmem>>, vector<16xf32>,
        tpu.vector_store %arg8[%swap3A], %gather3A {strides = array<i32>} : memref<4096xf32, #tpu.memory_space<vmem>>, vector<16xf32>,
        %get3A_152 = arith.index_cast %add3A_144 : i32 to index
        %get3A_153 = arith.constant 16 : index
        %get3A_154 = tpu.vector_load %arg6[%get3A_152, %get3A_153] {strides = array<i32>} : memref<128x128xi32, #tpu.memory_space<vmem>>, vector<16xi32>,
        %gather3A_155 = tpu.vector_load_idx %arg5[%get3A_154] : memref<100000xf32, #tpu.memory_space<vmem>>[vector<16xi32>], vector<16xf32>,
        %mul3A_156 = arith.constant 128 : i32
        %mul3A_157 = arith.muli %scan3A_142, %mul3A_156 : i32
        %add3A_158 = arith.constant 16 : i32
        %add3A_159 = arith.addi %mul3A_157, %add3A_158 : i32
        %swap3A_160 = arith.index_cast %add3A_159 : i32 to index
        %swap3A_161 = tpu.vector_load %arg8[%swap3A_160] {strides = array<i32>} : memref<4096xf32, #tpu.memory_space<vmem>>, vector<16xf32>,
        tpu.vector_store %arg8[%swap3A_160], %gather3A_155 {strides = array<i32>} : memref<4096xf32, #tpu.memory_space<vmem>>, vector<16xf32>,
        %get3A_162 = arith.index_cast %add3A_144 : i32 to index
        %get3A_163 = arith.constant 32 : index
        %get3A_164 = tpu.vector_load %arg6[%get3A_162, %get3A_163] {strides = array<i32>} : memref<128x128xi32, #tpu.memory_space<vmem>>, vector<16xi32>,
        %gather3A_165 = tpu.vector_load_idx %arg5[%get3A_164] : memref<100000xf32, #tpu.memory_space<vmem>>[vector<16xi32>], vector<16xf32>,
        %mul3A_166 = arith.constant 128 : i32
        %mul3A_167 = arith.muli %scan3A_142, %mul3A_166 : i32
        %add3A_168 = arith.constant 32 : i32
        %add3A_169 = arith.addi %mul3A_167, %add3A_168 : i32
        %swap3A_170 = arith.index_cast %add3A_169 : i32 to index
        %swap3A_171 = tpu.vector_load %arg8[%swap3A_170] {strides = array<i32>} : memref<4096xf32, #tpu.memory_space<vmem>>, vector<16xf32>,
        tpu.vector_store %arg8[%swap3A_170], %gather3A_165 {strides = array<i32>} : memref<4096xf32, #tpu.memory_space<vmem>>, vector<16xf32>,
        %get3A_172 = arith.index_cast %add3A_144 : i32 to index
        %get3A_173 = arith.constant 48 : index
        %get3A_174 = tpu.vector_load %arg6[%get3A_172, %get3A_173] {strides = array<i32>} : memref<128x128xi32, #tpu.memory_space<vmem>>, vector<16xi32>,
        %gather3A_175 = tpu.vector_load_idx %arg5[%get3A_174] : memref<100000xf32, #tpu.memory_space<vmem>>[vector<16xi32>], vector<16xf32>,
        %mul3A_176 = arith.constant 128 : i32
        %mul3A_177 = arith.muli %scan3A_142, %mul3A_176 : i32
        %add3A_178 = arith.constant 48 : i32
        %add3A_179 = arith.addi %mul3A_177, %add3A_178 : i32
        %swap3A_180 = arith.index_cast %add3A_179 : i32 to index
        %swap3A_181 = tpu.vector_load %arg8[%swap3A_180] {strides = array<i32>} : memref<4096xf32, #tpu.memory_space<vmem>>, vector<16xf32>,
        tpu.vector_store %arg8[%swap3A_180], %gather3A_175 {strides = array<i32>} : memref<4096xf32, #tpu.memory_space<vmem>>, vector<16xf32>,
        %get3A_182 = arith.index_cast %add3A_144 : i32 to index
        %get3A_183 = arith.constant 64 : index
        %get3A_184 = tpu.vector_load %arg6[%get3A_182, %get3A_183] {strides = array<i32>} : memref<128x128xi32, #tpu.memory_space<vmem>>, vector<16xi32>,
        %gather3A_185 = tpu.vector_load_idx %arg5[%get3A_184] : memref<100000xf32, #tpu.memory_space<vmem>>[vector<16xi32>], vector<16xf32>,
        %mul3A_186 = arith.constant 128 : i32
        %mul3A_187 = arith.muli %scan3A_142, %mul3A_186 : i32
        %add3A_188 = arith.constant 64 : i32
        %add3A_189 = arith.addi %mul3A_187, %add3A_188 : i32
        %swap3A_190 = arith.index_cast %add3A_189 : i32 to index
        %swap3A_191 = tpu.vector_load %arg8[%swap3A_190] {strides = array<i32>} : memref<4096xf32, #tpu.memory_space<vmem>>, vector<16xf32>,
        tpu.vector_store %arg8[%swap3A_190], %gather3A_185 {strides = array<i32>} : memref<4096xf32, #tpu.memory_space<vmem>>, vector<16xf32>,
        %get3A_192 = arith.index_cast %add3A_144 : i32 to index
        %get3A_193 = arith.constant 80 : index
        %get3A_194 = tpu.vector_load %arg6[%get3A_192, %get3A_193] {strides = array<i32>} : memref<128x128xi32, #tpu.memory_space<vmem>>, vector<16xi32>,
        %gather3A_195 = tpu.vector_load_idx %arg5[%get3A_194] : memref<100000xf32, #tpu.memory_space<vmem>>[vector<16xi32>], vector<16xf32>,
        %mul3A_196 = arith.constant 128 : i32
        %mul3A_197 = arith.muli %scan3A_142, %mul3A_196 : i32
        %add3A_198 = arith.constant 80 : i32
        %add3A_199 = arith.addi %mul3A_197, %add3A_198 : i32
        %swap3A_200 = arith.index_cast %add3A_199 : i32 to index
        %swap3A_201 = tpu.vector_load %arg8[%swap3A_200] {strides = array<i32>} : memref<4096xf32, #tpu.memory_space<vmem>>, vector<16xf32>,
        tpu.vector_store %arg8[%swap3A_200], %gather3A_195 {strides = array<i32>} : memref<4096xf32, #tpu.memory_space<vmem>>, vector<16xf32>,
        %get3A_202 = arith.index_cast %add3A_144 : i32 to index
        %get3A_203 = arith.constant 96 : index
        %get3A_204 = tpu.vector_load %arg6[%get3A_202, %get3A_203] {strides = array<i32>} : memref<128x128xi32, #tpu.memory_space<vmem>>, vector<16xi32>,
        %gather3A_205 = tpu.vector_load_idx %arg5[%get3A_204] : memref<100000xf32, #tpu.memory_space<vmem>>[vector<16xi32>], vector<16xf32>,
        %mul3A_206 = arith.constant 128 : i32
        %mul3A_207 = arith.muli %scan3A_142, %mul3A_206 : i32
        %add3A_208 = arith.constant 96 : i32
        %add3A_209 = arith.addi %mul3A_207, %add3A_208 : i32
        %swap3A_210 = arith.index_cast %add3A_209 : i32 to index
        %swap3A_211 = tpu.vector_load %arg8[%swap3A_210] {strides = array<i32>} : memref<4096xf32, #tpu.memory_space<vmem>>, vector<16xf32>,
        tpu.vector_store %arg8[%swap3A_210], %gather3A_205 {strides = array<i32>} : memref<4096xf32, #tpu.memory_space<vmem>>, vector<16xf32>,
        %get3A_212 = arith.index_cast %add3A_144 : i32 to index
        %get3A_213 = arith.constant 112 : index
        %get3A_214 = tpu.vector_load %arg6[%get3A_212, %get3A_213] {strides = array<i32>} : memref<128x128xi32, #tpu.memory_space<vmem>>, vector<16xi32>,
        %gather3A_215 = tpu.vector_load_idx %arg5[%get3A_214] : memref<100000xf32, #tpu.memory_space<vmem>>[vector<16xi32>], vector<16xf32>,
        %mul3A_216 = arith.constant 128 : i32
        %mul3A_217 = arith.muli %scan3A_142, %mul3A_216 : i32
        %add3A_218 = arith.constant 112 : i32
        %add3A_219 = arith.addi %mul3A_217, %add3A_218 : i32
        %swap3A_220 = arith.index_cast %add3A_219 : i32 to index
        %swap3A_221 = tpu.vector_load %arg8[%swap3A_220] {strides = array<i32>} : memref<4096xf32, #tpu.memory_space<vmem>>, vector<16xf32>,
        tpu.vector_store %arg8[%swap3A_220], %gather3A_215 {strides = array<i32>} : memref<4096xf32, #tpu.memory_space<vmem>>, vector<16xf32>,
      }
      %scan3A_135 = arith.constant 32 : i32
      %dma_start3A_136 = arith.constant 12288 : i32
      %dma_start3A_137 = tpu.memref_slice %arg4[%select_n3A, %select_n3A_59, %dma_start3A_136] : memref<26x32x16384xf32, #tpu.memory_space<hbm>> -> memref<1x1x4096xf32, #tpu.memory_space<hbm>>
      %dma_start3A_138 = tpu.memref_squeeze %dma_start3A_137 : memref<1x1x4096xf32, #tpu.memory_space<hbm>> -> memref<4096xf32, #tpu.memory_space<hbm>>
      %dma_start3A_139 = arith.constant 12288 : i32
      %dma_start3A_140 = tpu.memref_slice %arg4[%select_n3A, %select_n3A_59, %dma_start3A_139] : memref<26x32x16384xf32, #tpu.memory_space<hbm>> -> memref<1x1x4096xf32, #tpu.memory_space<hbm>>
      %dma_start3A_141 = tpu.memref_squeeze %dma_start3A_140 : memref<1x1x4096xf32, #tpu.memory_space<hbm>> -> memref<4096xf32, #tpu.memory_space<hbm>>
      tpu.enqueue_dma source(%arg8 : memref<4096xf32, #tpu.memory_space<vmem>>) target(%dma_start3A_141 : memref<4096xf32, #tpu.memory_space<hbm>>) target_semaphore(%arg11 : memref<!tpu.dma_semaphore, #tpu.memory_space<semaphore_mem>>)
      scf.yield %select_n3A : i32
    }
    %scan3A_6 = arith.constant 26 : i32
    %dma_wait3A = arith.constant 25 : i32
    %dma_wait3A_7 = arith.constant 31 : i32
    %dma_wait3A_8 = arith.constant 8192 : i32
    %dma_wait3A_9 = tpu.memref_slice %arg4[%dma_wait3A, %dma_wait3A_7, %dma_wait3A_8] : memref<26x32x16384xf32, #tpu.memory_space<hbm>> -> memref<1x1x4096xf32, #tpu.memory_space<hbm>>
    %dma_wait3A_10 = tpu.memref_squeeze %dma_wait3A_9 : memref<1x1x4096xf32, #tpu.memory_space<hbm>> -> memref<4096xf32, #tpu.memory_space<hbm>>
    %dma_wait3A_11 = arith.constant 8192 : i32
    %dma_wait3A_12 = tpu.memref_slice %arg4[%dma_wait3A, %dma_wait3A_7, %dma_wait3A_11] : memref<26x32x16384xf32, #tpu.memory_space<hbm>> -> memref<1x1x4096xf32, #tpu.memory_space<hbm>>
    %dma_wait3A_13 = tpu.memref_squeeze %dma_wait3A_12 : memref<1x1x4096xf32, #tpu.memory_space<hbm>> -> memref<4096xf32, #tpu.memory_space<hbm>>
    tpu.wait_dma2 semaphore(%arg10 : memref<!tpu.dma_semaphore, #tpu.memory_space<semaphore_mem>>) src(%arg7 : memref<4096xf32, #tpu.memory_space<vmem>>) dst(%dma_wait3A_13 : memref<4096xf32, #tpu.memory_space<hbm>>)
    %dma_wait3A_14 = arith.constant 25 : i32
    %dma_wait3A_15 = arith.constant 31 : i32
    %dma_wait3A_16 = arith.constant 12288 : i32
    %dma_wait3A_17 = tpu.memref_slice %arg4[%dma_wait3A_14, %dma_wait3A_15, %dma_wait3A_16] : memref<26x32x16384xf32, #tpu.memory_space<hbm>> -> memref<1x1x4096xf32, #tpu.memory_space<hbm>>
    %dma_wait3A_18 = tpu.memref_squeeze %dma_wait3A_17 : memref<1x1x4096xf32, #tpu.memory_space<hbm>> -> memref<4096xf32, #tpu.memory_space<hbm>>
    %dma_wait3A_19 = arith.constant 12288 : i32
    %dma_wait3A_20 = tpu.memref_slice %arg4[%dma_wait3A_14, %dma_wait3A_15, %dma_wait3A_19] : memref<26x32x16384xf32, #tpu.memory_space<hbm>> -> memref<1x1x4096xf32, #tpu.memory_space<hbm>>
    %dma_wait3A_21 = tpu.memref_squeeze %dma_wait3A_20 : memref<1x1x4096xf32, #tpu.memory_space<hbm>> -> memref<4096xf32, #tpu.memory_space<hbm>>
    tpu.wait_dma2 semaphore(%arg11 : memref<!tpu.dma_semaphore, #tpu.memory_space<semaphore_mem>>) src(%arg8 : memref<4096xf32, #tpu.memory_space<vmem>>) dst(%dma_wait3A_21 : memref<4096xf32, #tpu.memory_space<hbm>>)
    return
  }
}

</mosaic_0001>

<sc_bundles>
// kernel: kernel.3.cloned.1.call-start
scs
__scs_entry_jumppad:
0x0: {  	(pc) =	sbr.rel $0x88, $3  }
0x1: {  	(tag) =	ssettag $0x0;
	lr =	simm.s32 $0x1  }
0x2: {  	[smem:$0x3F9F] =	sst lr;
	_ =	strace $0xD0000000  }
0x3: {  	_ = 	snop  }
0x4: {  	_ = 	snop  }
0x5: {  	_ = 	snop  }
0x6: {  	_ = 	snop  }
0x7: {  	_ = 	snop  }
__scs_overlays_trampoline_lowered:
0x8: {  	[smem:$0x3FAE] =	sst s0  }
0x9: {  	[smem:$0x3FAF] =	sst s1  }
0xa: {  	[smem:$0x3FB0] =	sst s2  }
0xb: {  	[smem:$0x3FB1] =	sst s3  }
0xc: {  	[smem:$0x3FB2] =	sst s4  }
0xd: {  	[smem:$0x3FB3] =	sst s5  }
0xe: {  	[smem:$0x3FB4] =	sst s6  }
0xf: {  	[smem:$0x3FB5] =	sst s7  }
0x10: {  	[smem:$0x3FB6] =	sst s8  }
0x11: {  	[smem:$0x3FB7] =	sst s9;
	s0 =	simm.s32 @!p0 $0x0  }
0x12: {  	s1 =	sld [smem:$0x3F9D];
	s0 =	simm.s32 @p0 $0x1  }
0x13: {  	[smem:$0x3FB8] =	sst s0;
	s0 =	simm.s32 @!p1 $0x0  }
0x14: {  	s2 =	sld [smem:$0x3F9C];
	s0 =	simm.s32 @p1 $0x1  }
0x15: {  	[smem:$0x3FB9] =	sst s0;
	s0 =	simm.s32 @!p2 $0x0  }
0x16: {  	s3 =	sld [smem:$0x3FDB];
	s0 =	simm.s32 @p2 $0x1  }
0x17: {  	s4 =	simm.s32 $0x1BF5;
	[smem:$0x3FBB] =	sst s0  }
0x18: {  	s0 =	sld [smem:$0x3F9E];
	_ =	swait.ge [sflag:s4], $0x0  }
0x19: {  	s7 =	sld [smem:$0x3F9F]  }
0x1a: {  	s8 =	sadd.s32 $0xFFFFE003, lr  }
0x1b: {  	s9 =	sadd.s32 $0xFFFFFEF7, lr;
	s5 =	simm.s32 $0xFFFFFFFF;
	p2 =	slt.u32 s8, $0xFFFFF086  }
0x1c: {  	p1 =	slt.u32 s9, $0xF7A;
	s5 =	simm.s32 @!p2 $0x0  }
0x1d: {  	s5 =	simm.s32 @p1 $0x1;
	p0 =	seq.s32 s7, s2  }
0x1e: {  	s7 =	smul.u32 @!p0 $0xF7A, s2;
	p2 =	seq.s32 @!p0 s5, $0x0  }
0x1f: {  	s9 =	smul.u32 $0xF7A, s1;
	s8 =	simm.s32 @!p0 $0x1BF5;
	p2 =	por !p2, p0  }
0x20: {  	[sflag:s8] =	ssyncset.s32 @!p0 $0xFFFFF086;
	s6 =	sadd.s32 @!p0 s3, s7;
	s7 =	simm.s32 @!p0 $0x108  }
0x21: {  	s3 =	sadd.s32 s3, s9;
	s6 =	sadd.s32 @!p0 $0x88, s6;
	s7 =	simm.s32 @p2 $0x1082  }
0x22: {  	[simem:s7], [sflag:s8] =	dma.local @!p0 [hbm:s6], $0xF7A  }
0x23: {  	s9 =	sor.u32 $0xD0000000, s2;
	s6 =	simm.s32 $0x108;
	_ =	swait.ge @!p0 [sflag:s8], $0x0  }
0x24: {  	s3 =	sadd.s32 $0x88, s3;
	s6 =	simm.s32 @!p1 $0x1082;
	[sflag:s4] =	ssyncset.s32 $0xFFFFF086  }
0x25: {  	[simem:s6], [sflag:s4] =	dma.local [hbm:s3], $0xF7A  }
0x26: {  	[smem:$0x3F9F] =	sst s1;
	(tag) =	ssettag s2;
	_ =	strace s9  }
0x27: {  	s1 =	sld [smem:$0x3FAF]  }
0x28: {  	s2 =	sld [smem:$0x3FB0]  }
0x29: {  	s4 =	sld [smem:$0x3FB2]  }
0x2a: {  	p0 =	seq.s32 s5, $0x0;
	s5 =	sld [smem:$0x3FB3]  }
0x2b: {  	s6 =	sld [smem:$0x3FB4]  }
0x2c: {  	s7 =	sld [smem:$0x3FB5]  }
0x2d: {  	s3 =	simm.s32 $0x108;
	s8 =	sld [smem:$0x3FB6]  }
0x2e: {  	s3 =	simm.s32 @!p0 $0x1082;
	s9 =	sld [smem:$0x3FB7]  }
0x2f: {  	lr =	sadd.s32 s0, s3;
	s0 =	sld [smem:$0x3FAE]  }
0x30: {  	s3 =	sld [smem:$0x3FB1]  }
0x31: {  	[smem:$0x3FBA] =	sst s10  }
0x32: {  	s10 =	sld [smem:$0x3FB8];
	_ =	sdelay $0x3  }
0x33: {  	p0 =	seq.s32 s10, $0x1;
	s10 =	sld [smem:$0x3FBA];
	_ =	sdelay $0x3  }
0x34: {  	[smem:$0x3FBA] =	sst s10  }
0x35: {  	s10 =	sld [smem:$0x3FB9];
	_ =	sdelay $0x3  }
0x36: {  	p1 =	seq.s32 s10, $0x1;
	s10 =	sld [smem:$0x3FBA];
	_ =	sdelay $0x3  }
0x37: {  	[smem:$0x3FBA] =	sst s10  }
0x38: {  	s10 =	sld [smem:$0x3FBB]  }
0x39: {  	_ = 	snop;
	(pc) =	sbr.ind lr, $3  }
0x3a: {  	_ = 	snop  }
0x3b: {  	_ = 	snop  }
0x3c: {  	p2 =	seq.s32 s10, $0x1;
	s10 =	sld [smem:$0x3FBA]  }
0x3d: {  	_ =	shalt  }
0x3e: {  	_ =	shalt  }
0x3f: {  	_ =	shalt  }
0x40: {  	_ =	shalt  }
0x41: {  	_ =	shalt  }
0x42: {  	_ =	shalt  }
0x43: {  	_ =	shalt  }
0x44: {  	_ =	shalt  }
0x45: {  	_ =	shalt  }
0x46: {  	_ =	shalt  }
0x47: {  	_ =	shalt  }
0x48: {  	_ =	shalt  }
0x49: {  	_ =	shalt  }
0x4a: {  	_ =	shalt  }
0x4b: {  	_ =	shalt  }
0x4c: {  	_ =	shalt  }
0x4d: {  	_ =	shalt  }
0x4e: {  	_ =	shalt  }
0x4f: {  	_ =	shalt  }
0x50: {  	_ =	shalt  }
0x51: {  	_ =	shalt  }
0x52: {  	_ =	shalt  }
0x53: {  	_ =	shalt  }
0x54: {  	_ =	shalt  }
0x55: {  	_ =	shalt  }
0x56: {  	_ =	shalt  }
0x57: {  	_ =	shalt  }
0x58: {  	_ =	shalt  }
0x59: {  	_ =	shalt  }
0x5a: {  	_ =	shalt  }
0x5b: {  	_ =	shalt  }
0x5c: {  	_ =	shalt  }
0x5d: {  	_ =	shalt  }
0x5e: {  	_ =	shalt  }
0x5f: {  	_ =	shalt  }
0x60: {  	_ =	shalt  }
0x61: {  	_ =	shalt  }
0x62: {  	_ =	shalt  }
0x63: {  	_ =	shalt  }
0x64: {  	_ =	shalt  }
0x65: {  	_ =	shalt  }
0x66: {  	_ =	shalt  }
0x67: {  	_ =	shalt  }
0x68: {  	_ =	shalt  }
0x69: {  	_ =	shalt  }
0x6a: {  	_ =	shalt  }
0x6b: {  	_ =	shalt  }
0x6c: {  	_ =	shalt  }
0x6d: {  	_ =	shalt  }
0x6e: {  	_ =	shalt  }
0x6f: {  	_ =	shalt  }
0x70: {  	_ =	shalt  }
0x71: {  	_ =	shalt  }
0x72: {  	_ =	shalt  }
0x73: {  	_ =	shalt  }
0x74: {  	_ =	shalt  }
0x75: {  	_ =	shalt  }
0x76: {  	_ =	shalt  }
0x77: {  	_ =	shalt  }
0x78: {  	_ =	shalt  }
0x79: {  	_ =	shalt  }
0x7a: {  	_ =	shalt  }
0x7b: {  	_ =	shalt  }
0x7c: {  	_ =	shalt  }
0x7d: {  	_ =	shalt  }
0x7e: {  	_ =	shalt  }
0x7f: {  	_ =	shalt  }
0x80: {  	_ =	shalt  }
0x81: {  	_ =	shalt  }
0x82: {  	_ =	shalt  }
0x83: {  	_ =	shalt  }
0x84: {  	_ =	shalt  }
0x85: {  	_ =	shalt  }
0x86: {  	_ =	shalt  }
0x87: {  	_ =	shalt  }
.Lfunc_end0:
.L_simem_size_0:
called_computation_lowered:
.L_overlay_start_0:
0x88: {  	s2 =	sld [smem:$0x3FD9]  }
0x89: {  	s3 =	sld [smem:$0x3FFE];
	_ =	sdelay $0x1  }
0x8a: {  	s1 =	srdreg.scid  }
0x8b: {  	s0 =	sand.u32 $0x1, s1  }
0x8c: {  	s17 =	sshll.u32 s0, $0xA;
	s2 =	sadd.s32 s3, s2  }
0x8d: {  	s2 =	sadd.s32 s2, s17  }
0x8e: {  	[smem:$0x3FC6] =	sst s2  }
0x8f: {  	_ = 	snop  }
0x90: {  	s2 =	sld [smem:$0x3FC8]  }
0x91: {  	s18 =	sld [smem:$0x3FD0];
	(tm) =	ssettm $0x1  }
0x92: {  	s4 =	sld [smem:$0x3FFB];
	_ =	sdelay $0x3  }
0x93: {  	_ =	strace s4  }
0x94: {  	s4 =	sld [smem:$0x3FFC];
	_ =	sdelay $0x3  }
0x95: {  	_ =	strace s4  }
0x96: {  	s4 =	sld [smem:$0x3FFD];
	_ =	sdelay $0x3  }
0x97: {  	_ =	strace s4  }
0x98: {  	_ =	strace $0x8FFFFFFF  }
0x99: {  	s19 =	sld [smem:$0x3FDB];
	_ =	sdelay $0x1  }
0x9a: {  	s5 =	simm.s32 $_scs_section_size  }
0x9b: {  	s6 =	simm.s32 $_size__tile_overlayer_lowered;
	s7 =	simm.s32 $_tile_overlayer_lowered  }
0x9c: {  	s22 =	simm.s32 $0x1BFF;
	s21 =	sshll.u32 s7, $0x1;
	s4 =	sadd.s32 s5, s19  }
0x9d: {  	s8 =	simm.s32 $0x0;
	s20 =	sshll.u32 s6, $0x1;
	s6 =	sadd.s32 s21, s4  }
0x9e: {  	[timem:s8], [sflag:s22] =	dma.local [hbm:s6], s20  }
0x9f: {  	_ =	swait.ge [sflag:s22], s20  }
0xa0: {  	s5 =	ssub.s32 $0x0, s20;
	[sflag:s22] =	ssyncset.done $0x0  }
0xa1: {  	[sflag:s22] =	ssyncadd.s32 s5;
	_ =	sdelay $0x1  }
0xa2: {  	s23 =	simm.s32 $0x1B8B  }
0xa3: {  	_ =	swait.ge [sflag:s23], $0x1  }
0xa4: {  	[sflag:s23] =	ssyncset.done $0x0  }
0xa5: {  	s25 =	simm.s32 $0x1B8E;
	s24 =	sld [smem:$0x3FFE];
	[sflag:s23] =	ssyncadd.s32 $0xFFFFFFFF  }
0xa6: {  	s26 =	simm.s32 $execute0_lowered;
	[smem:$0x3FD2] =	sst s25  }
0xa7: {  	s6 =	sshll.u32 s26, $0x1;
	_ =	strace $0x80000046;
	[dreg:$0x1] =	wrdreg $0xFFFFFFFF  }
0xa8: {  	s28 =	simm.s32 $_size_execute0_lowered;
	s4 =	sadd.s32 s4, s6;
	[dreg:$0x0] =	wrdreg $0x0  }
0xa9: {  	s6 =	sshll.u32 s28, $0x1;
	[dreg:$0x2] =	wrdreg s4  }
0xaa: {  	[dreg:$0x3] =	wrdreg s6  }
0xab: {  	[dreg:$0x4] =	wrdreg $0xC0  }
0xac: {  	_ =	task [dreg:s8], $0x5FFFF  }
0xad: {  	[dreg:$0x1] =	wrdreg $0xFFFFFFFF  }
0xae: {  	[dreg:$0x0] =	wrdreg $0x60  }
0xaf: {  	[dreg:$0x2] =	wrdreg s2  }
0xb0: {  	[dreg:$0x3] =	wrdreg s24  }
0xb1: {  	[dreg:$0x4] =	wrdreg s18  }
0xb2: {  	[dreg:$0x5] =	wrdreg $0x9  }
0xb3: {  	_ =	task.clear_ibuf [dreg:s8], $0x6FFFF;
	_ =	strace $0x90000046  }
0xb4: {  	s29 =	simm.s32 $0x9;
	_ =	strace $0x80000048  }
0xb5: {  	_ =	swait.ge [sflag:s29], $0x1  }
0xb6: {  	[sflag:s29] =	ssyncadd.s32 $0xFFFFFFFF  }
0xb7: {  	_ =	strace $0x90000048  }
0xb8: {  	_ =	sfence  }
0xb9: {  	s30 =	sld [smem:$0x0];
	_ =	sdelay $0x2  }
0xba: {  	s31 =	sshll.u32 s1, $0xD;
	s1 =	sshrl.u32 s1, $0x2  }
0xbb: {  	s3 =	sand.u32 $0x4000, s31;
	s1 =	sadd.s32 s1, s30  }
0xbc: {  	s0 =	sor.u32 s3, s0;
	s1 =	sshll.u32 s1, $0x11  }
0xbd: {  	s0 =	sor.u32 s1, s0  }
0xbe: {  	s0 =	sadd.s32 $0x8F2B, s0  }
0xbf: {  	[sflag:s0] =	ssyncadd.remote.s32 $0x1  }
0xc0: {  	_ =	sfence.sel $0xFFFF  }
0xc1: {  	[dreg:$0x0] =	wrdreg $0xFFFFFFFF;
	(pc) =	sbr.abs _section_cstart, $3  }
0xc2: {  	[dreg:$0x1] =	wrdreg $0xFFFFFFFF  }
0xc3: {  	_ =	task.clear_ibuf [dreg:s8], $0x2FFFF;
	_ =	strace $0x9FFFFFFF  }
0xc4: {  	(tm) =	ssettm $0x7FFFFFFF  }
0xc5: {  	_ =	shalt  }
tec
execute0_lowered:
.L_overlay_start_1:
0x0: {  	(tag) =	ssettag $0x1  }
0x1: {  	s1 =	rddreg [dreg:$0x0]  }
0x2: {  	s6 =	rddreg [dreg:$0x1]  }
0x3: {  	s3 =	rddreg [dreg:$0x2]  }
0x4: {  	s0 =	rddreg [dreg:$0x3];
	s5 =	srdreg.scid  }
0x5: {  	s4 =	simm.s32 $0x0;
	s2 =	stileid.u32;
	s12 =	simm.s32 $0x80  }
0x6: {  	s13 =	simm.s32 $0x400;
	s14 =	simm.s32 $0x1;
	s15 =	simm.s32 $0x1C700  }
0x7: {  	s16 =	simm.s32 $0x1D700;
	s17 =	simm.s32 $0x2;
	s18 =	simm.s32 $0x3  }
0x8: {  	s19 =	simm.s32 $0x0;
	s5 =	sand.u32 $0x1, s5;
	[smem:$0x7FF] =	sst s4  }
0x9: {  	s8 =	sshll.u32 s2, $0x1;
	s6 =	sadd.s32 $0x400, s6;
	s7 =	ssub.s32 $0x2, s5  }
0xa: {  	s10 =	sadd.s32 $0x3000, s3;
	_ =	strace $0x80000047;
	s9 =	sshrl.u32 s7, $0x1  }
0xb: {  	s5 =	sor.u32 s5, s8;
	s8 =	sadd.s32 $0x1000, s3;
	s11 =	ssub.s32 s7, s9  }
0xc: {  	s7 =	smul.u32 $0x1A, s5;
	s9 =	sadd.s32 $0x2000, s3;
	s11 =	smax.u32 s11, $0x1  }
.LBB2_1:
0xd: {  	s21 =	simm.s32 $0xFFFFFFFF;
	s20 =	simm.s32 $0x0  }
.LBB2_2:
0xe: {  	s22 =	sadd.s32 s5, s20  }
0xf: {  	s23 =	smulhi.u32 $0x4EC4EC4F, s22;
	_ =	sdelay $0x1  }
0x10: {  	s23 =	sshrl.u32 s23, $0x3  }
0x11: {  	s23 =	smul.u32 $0x1A, s23;
	_ =	sdelay $0x1  }
0x12: {  	s22 =	ssub.s32 s22, s23  }
0x13: {  	s24 =	sadd.s32 s7, s22  }
0x14: {  	s26 =	smov.u32 s21;
	s21 =	sshrl.u32 s24, $0x5  }
0x15: {  	p0 =	seq.s32 s21, s26  }
0x16: {  	s22 =	sshll.u32 @!p0 s21, $0xB  }
0x17: {  	s28 =	sshrl.u32 s24, $0x3;
	s22 =	sand.u32 @!p0 $0x1FFFF800, s22  }
0x18: {  	s23 =	simm.s32 @!p0 $0x0;
	s25 =	simm.s32 @!p0 $0x18700;
	s22 =	sadd.s32 @!p0 s6, s22  }
0x19: {  	[tilespmem:s25], [sflag:$0x1] =	stream.linear.gather @!p0 [hbm4b:s22+s23], $0x4000, $0x38;
	[tilespmem:$0x1E700] =	vst v63  }
0x1a: {  	s29 =	smul.u32 $0x30E000, s21;
	s22 =	sand.u32 $0x3, s28  }
0x1b: {  	s26 =	smul.u32 $0xC3800, s22  }
0x1c: {  	s30 =	sshll.u32 s24, $0x7  }
0x1d: {  	s24 =	simm.s32 @!p0 $0x1;
	s23 =	sand.u32 $0x380, s30;
	s25 =	sadd.s32 s29, s26  }
0x1e: {  	_ =	swait.ge @!p0 [sflag:s24], $0x4000;
	s25 =	sor.u32 s23, s25  }
0x1f: {  	[sflag:s24] =	ssyncset.done @!p0 $0x0;
	s25 =	sshrl.u32 s25, $0x3  }
0x20: {  	[sflag:s24] =	ssyncadd.s32 @!p0 $0xFFFFC000;
	s31 =	sadd.s32 s1, s25  }
0x21: {  	[tilespmem:s4], [sflag:$0x1] =	stream.strided.gather [hbm4b:s31+s12], $0x18700, s13, s12, $0x38;
	[tilespmem:$0x1E700] =	vst v63  }
0x22: {  	_ =	swait.ge [sflag:s14], $0x18700  }
0x23: {  	p0 =	seq.s32 s20, $0x0;
	[sflag:s14] =	ssyncset.done $0x0  }
0x24: {  	s24 =	simm.s32 @!p0 $0x2;
	[sflag:s14] =	ssyncadd.s32 $0xFFFE7900  }
0x25: {  	_ =	swait.ge @!p0 [sflag:s24], $0x1000  }
0x26: {  	[sflag:s24] =	ssyncset.done @!p0 $0x0  }
0x27: {  	[sflag:s24] =	ssyncadd.s32 @!p0 $0xFFFFF000;
	s24 =	simm.s32 $0x0  }
0x28: {  	v0 =	vld [tilespmem:s24+$0x18700];
	_ =	sdelay $0x5  }
0x29: {  	v1 =	vld [tilespmem:s24+$0x18710];
	_ =	sdelay $0x1  }
0x2a: {  	v0 =	vld.idx.msk [tilespmem:v0+s4+$0x0], $0xffff;
	_ =	sdelay $0x4  }
0x2b: {  	[tilespmem:s24+$0x1C700] =	vst v0;
	v0 =	vld [tilespmem:s24+$0x18720]  }
0x2c: {  	v1 =	vld.idx.msk [tilespmem:v1+s4+$0x0], $0xffff;
	_ =	sdelay $0x4  }
0x2d: {  	[tilespmem:s24+$0x1C710] =	vst v1;
	v1 =	vld [tilespmem:s24+$0x18730];
	_ =	sdelay $0x1  }
0x2e: {  	v0 =	vld.idx.msk [tilespmem:v0+s4+$0x0], $0xffff;
	_ =	sdelay $0x4  }
0x2f: {  	[tilespmem:s24+$0x1C720] =	vst v0;
	v0 =	vld [tilespmem:s24+$0x18740]  }
0x30: {  	v1 =	vld.idx.msk [tilespmem:v1+s4+$0x0], $0xffff;
	_ =	sdelay $0x4  }
0x31: {  	[tilespmem:s24+$0x1C730] =	vst v1;
	v1 =	vld [tilespmem:s24+$0x18750];
	_ =	sdelay $0x1  }
0x32: {  	v0 =	vld.idx.msk [tilespmem:v0+s4+$0x0], $0xffff;
	_ =	sdelay $0x4  }
0x33: {  	v2 =	vld [tilespmem:s24+$0x18760];
	[tilespmem:s24+$0x1C740] =	vst v0  }
0x34: {  	v0 =	vld.idx.msk [tilespmem:v1+s4+$0x0], $0xffff;
	_ =	sdelay $0x4  }
0x35: {  	[tilespmem:s24+$0x1C750] =	vst v0;
	v0 =	vld [tilespmem:s24+$0x18770];
	_ =	sdelay $0x1  }
0x36: {  	v1 =	vld.idx.msk [tilespmem:v2+s4+$0x0], $0xffff;
	_ =	sdelay $0x3  }
0x37: {  	s26 =	simm.s32 $0x80;
	s25 =	simm.s32 $0x400  }
.LBB2_3:
0x38: {  	p1 =	sne.s32 s25, $0x3E00;
	v2 =	vld [tilespmem:s26+$0x18700];
	[tilespmem:s24+$0x1C760] =	vst v1  }
0x39: {  	v0 =	vld.idx.msk [tilespmem:v0+s4+$0x0], $0xffff;
	_ =	sdelay $0x5  }
0x3a: {  	v1 =	vld [tilespmem:s26+$0x18710];
	[tilespmem:s24+$0x1C770] =	vst v0;
	s24 =	smov.u32 s26  }
0x3b: {  	v0 =	vld.idx.msk [tilespmem:v2+s4+$0x0], $0xffff;
	_ =	sdelay $0x5  }
0x3c: {  	[tilespmem:s24+$0x1C700] =	vst v0;
	v0 =	vld [tilespmem:s24+$0x18720]  }
0x3d: {  	v1 =	vld.idx.msk [tilespmem:v1+s4+$0x0], $0xffff;
	_ =	sdelay $0x5  }
0x3e: {  	[tilespmem:s24+$0x1C710] =	vst v1;
	v1 =	vld [tilespmem:s24+$0x18730]  }
0x3f: {  	v0 =	vld.idx.msk [tilespmem:v0+s4+$0x0], $0xffff;
	_ =	sdelay $0x5  }
0x40: {  	[tilespmem:s24+$0x1C720] =	vst v0;
	v0 =	vld [tilespmem:s24+$0x18740]  }
0x41: {  	v1 =	vld.idx.msk [tilespmem:v1+s4+$0x0], $0xffff;
	_ =	sdelay $0x5  }
0x42: {  	[tilespmem:s24+$0x1C730] =	vst v1;
	v1 =	vld [tilespmem:s24+$0x18750]  }
0x43: {  	v0 =	vld.idx.msk [tilespmem:v0+s4+$0x0], $0xffff;
	_ =	sdelay $0x5  }
0x44: {  	[tilespmem:s24+$0x1C740] =	vst v0;
	v2 =	vld [tilespmem:s24+$0x18760]  }
0x45: {  	v0 =	vld.idx.msk [tilespmem:v1+s4+$0x0], $0xffff;
	_ =	sdelay $0x5  }
0x46: {  	[tilespmem:s24+$0x1C750] =	vst v0;
	v0 =	vld [tilespmem:s24+$0x18770]  }
0x47: {  	v1 =	vld.idx.msk [tilespmem:v2+s4+$0x0], $0xffff  }
.Ltmp0:
0x48: {  	(pc) =	sbr.rel @p1 .LBB2_3-.Ltmp0, $2  }
0x49: {  	_ =	sdelay $0x2  }
0x4a: {  	s26 =	sshra.s32 s25, $0x2;
	s25 =	sadd.s32 $0x200, s25  }
0x4b: {  	_ =	sdelay $0x1  }
0x4c: {  	v2 =	vld [tilespmem:s26+$0x18700]  }
0x4d: {  	[tilespmem:s24+$0x1C760] =	vst v1  }
0x4e: {  	v0 =	vld.idx.msk [tilespmem:v0+s4+$0x0], $0xffff;
	_ =	sdelay $0x3  }
0x4f: {  	v1 =	vld [tilespmem:s26+$0x18710]  }
0x50: {  	[tilespmem:s24+$0x1C770] =	vst v0  }
0x51: {  	v0 =	vld.idx.msk [tilespmem:v2+s4+$0x0], $0xffff;
	_ =	sdelay $0x4  }
0x52: {  	[tilespmem:s26+$0x1C700] =	vst v0;
	v0 =	vld [tilespmem:s26+$0x18720]  }
0x53: {  	v1 =	vld.idx.msk [tilespmem:v1+s4+$0x0], $0xffff;
	_ =	sdelay $0x4  }
0x54: {  	[tilespmem:s26+$0x1C710] =	vst v1;
	v1 =	vld [tilespmem:s26+$0x18730];
	_ =	sdelay $0x1  }
0x55: {  	v0 =	vld.idx.msk [tilespmem:v0+s4+$0x0], $0xffff;
	_ =	sdelay $0x4  }
0x56: {  	[tilespmem:s26+$0x1C720] =	vst v0;
	v0 =	vld [tilespmem:s26+$0x18740]  }
0x57: {  	v1 =	vld.idx.msk [tilespmem:v1+s4+$0x0], $0xffff;
	_ =	sdelay $0x4  }
0x58: {  	[tilespmem:s26+$0x1C730] =	vst v1;
	v1 =	vld [tilespmem:s26+$0x18750];
	_ =	sdelay $0x1  }
0x59: {  	v0 =	vld.idx.msk [tilespmem:v0+s4+$0x0], $0xffff;
	_ =	sdelay $0x4  }
0x5a: {  	[tilespmem:s26+$0x1C740] =	vst v0;
	v0 =	vld [tilespmem:s26+$0x18760]  }
0x5b: {  	v1 =	vld.idx.msk [tilespmem:v1+s4+$0x0], $0xffff;
	_ =	sdelay $0x4  }
0x5c: {  	[tilespmem:s26+$0x1C750] =	vst v1;
	v1 =	vld [tilespmem:s26+$0x18770];
	_ =	sdelay $0x1  }
0x5d: {  	v0 =	vld.idx.msk [tilespmem:v0+s4+$0x0], $0xffff;
	_ =	sdelay $0x4  }
0x5e: {  	[tilespmem:s26+$0x1C760] =	vst v0  }
0x5f: {  	v0 =	vld.idx.msk [tilespmem:v1+s4+$0x0], $0xffff  }
0x60: {  	s30 =	sshll.u32 s21, $0x13;
	s22 =	sshll.u32 s22, $0x11  }
0x61: {  	s22 =	sor.u32 s30, s22  }
0x62: {  	s22 =	sor.u32 s23, s22  }
0x63: {  	s22 =	sshrl.u32 s22, $0x3  }
0x64: {  	s23 =	simm.s32 @!p0 $0x3;
	s31 =	sadd.s32 s3, s22;
	[tilespmem:s26+$0x1C770] =	vst v0  }
0x65: {  	[hbm4b:s31+s12] =	stream.strided.scatter [tilespmem:s15], [sflag:$0x2], $0x1000, s13, s12, $0x38;
	[tilespmem:$0x1E700] =	vst v63  }
0x66: {  	_ =	swait.ge @!p0 [sflag:s23], $0x1000  }
0x67: {  	[sflag:s23] =	ssyncset.done @!p0 $0x0  }
0x68: {  	[sflag:s23] =	ssyncadd.s32 @!p0 $0xFFFFF000;
	s23 =	simm.s32 $0x40  }
0x69: {  	v0 =	vld [tilespmem:s23+$0x196C0];
	_ =	sdelay $0x5  }
0x6a: {  	v1 =	vld [tilespmem:s23+$0x196D0];
	_ =	sdelay $0x1  }
0x6b: {  	v0 =	vld.idx.msk [tilespmem:v0+s4+$0x0], $0xffff;
	_ =	sdelay $0x4  }
0x6c: {  	[tilespmem:s23+$0x1D6C0] =	vst v0;
	v0 =	vld [tilespmem:s23+$0x196E0]  }
0x6d: {  	v1 =	vld.idx.msk [tilespmem:v1+s4+$0x0], $0xffff;
	_ =	sdelay $0x4  }
0x6e: {  	[tilespmem:s23+$0x1D6D0] =	vst v1;
	v1 =	vld [tilespmem:s23+$0x196F0];
	_ =	sdelay $0x1  }
0x6f: {  	v0 =	vld.idx.msk [tilespmem:v0+s4+$0x0], $0xffff;
	_ =	sdelay $0x4  }
0x70: {  	[tilespmem:s23+$0x1D6E0] =	vst v0;
	v0 =	vld [tilespmem:s23+$0x19700]  }
0x71: {  	v1 =	vld.idx.msk [tilespmem:v1+s4+$0x0], $0xffff;
	_ =	sdelay $0x4  }
0x72: {  	[tilespmem:s23+$0x1D6F0] =	vst v1;
	v1 =	vld [tilespmem:s23+$0x19710];
	_ =	sdelay $0x1  }
0x73: {  	v0 =	vld.idx.msk [tilespmem:v0+s4+$0x0], $0xffff;
	_ =	sdelay $0x4  }
0x74: {  	v2 =	vld [tilespmem:s23+$0x19720];
	[tilespmem:s23+$0x1D700] =	vst v0  }
0x75: {  	v0 =	vld.idx.msk [tilespmem:v1+s4+$0x0], $0xffff;
	_ =	sdelay $0x4  }
0x76: {  	[tilespmem:s23+$0x1D710] =	vst v0;
	v0 =	vld [tilespmem:s23+$0x19730];
	_ =	sdelay $0x1  }
0x77: {  	v1 =	vld.idx.msk [tilespmem:v2+s4+$0x0], $0xffff;
	_ =	sdelay $0x3  }
0x78: {  	s25 =	simm.s32 $0xC0;
	s24 =	simm.s32 $0x500  }
.LBB2_5:
0x79: {  	p0 =	sne.s32 s24, $0x3F00;
	v2 =	vld [tilespmem:s25+$0x196C0];
	[tilespmem:s23+$0x1D720] =	vst v1  }
0x7a: {  	v0 =	vld.idx.msk [tilespmem:v0+s4+$0x0], $0xffff;
	_ =	sdelay $0x5  }
0x7b: {  	v1 =	vld [tilespmem:s25+$0x196D0];
	[tilespmem:s23+$0x1D730] =	vst v0;
	s23 =	smov.u32 s25  }
0x7c: {  	v0 =	vld.idx.msk [tilespmem:v2+s4+$0x0], $0xffff;
	_ =	sdelay $0x5  }
0x7d: {  	[tilespmem:s23+$0x1D6C0] =	vst v0;
	v0 =	vld [tilespmem:s23+$0x196E0]  }
0x7e: {  	v1 =	vld.idx.msk [tilespmem:v1+s4+$0x0], $0xffff;
	_ =	sdelay $0x5  }
0x7f: {  	[tilespmem:s23+$0x1D6D0] =	vst v1;
	v1 =	vld [tilespmem:s23+$0x196F0]  }
0x80: {  	v0 =	vld.idx.msk [tilespmem:v0+s4+$0x0], $0xffff;
	_ =	sdelay $0x5  }
0x81: {  	[tilespmem:s23+$0x1D6E0] =	vst v0;
	v0 =	vld [tilespmem:s23+$0x19700]  }
0x82: {  	v1 =	vld.idx.msk [tilespmem:v1+s4+$0x0], $0xffff;
	_ =	sdelay $0x5  }
0x83: {  	[tilespmem:s23+$0x1D6F0] =	vst v1;
	v1 =	vld [tilespmem:s23+$0x19710]  }
0x84: {  	v0 =	vld.idx.msk [tilespmem:v0+s4+$0x0], $0xffff;
	_ =	sdelay $0x5  }
0x85: {  	[tilespmem:s23+$0x1D700] =	vst v0;
	v2 =	vld [tilespmem:s23+$0x19720]  }
0x86: {  	v0 =	vld.idx.msk [tilespmem:v1+s4+$0x0], $0xffff;
	_ =	sdelay $0x5  }
0x87: {  	[tilespmem:s23+$0x1D710] =	vst v0;
	v0 =	vld [tilespmem:s23+$0x19730]  }
0x88: {  	v1 =	vld.idx.msk [tilespmem:v2+s4+$0x0], $0xffff  }
.Ltmp1:
0x89: {  	(pc) =	sbr.rel @p0 .LBB2_5-.Ltmp1, $2  }
0x8a: {  	_ =	sdelay $0x2  }
0x8b: {  	s25 =	sshra.s32 s24, $0x2;
	s24 =	sadd.s32 $0x200, s24  }
0x8c: {  	_ =	sdelay $0x1  }
0x8d: {  	v2 =	vld [tilespmem:s25+$0x196C0]  }
0x8e: {  	[tilespmem:s23+$0x1D720] =	vst v1  }
0x8f: {  	v0 =	vld.idx.msk [tilespmem:v0+s4+$0x0], $0xffff;
	_ =	sdelay $0x3  }
0x90: {  	v1 =	vld [tilespmem:s25+$0x196D0]  }
0x91: {  	[tilespmem:s23+$0x1D730] =	vst v0  }
0x92: {  	v0 =	vld.idx.msk [tilespmem:v2+s4+$0x0], $0xffff;
	_ =	sdelay $0x4  }
0x93: {  	[tilespmem:s25+$0x1D6C0] =	vst v0;
	v0 =	vld [tilespmem:s25+$0x196E0]  }
0x94: {  	v1 =	vld.idx.msk [tilespmem:v1+s4+$0x0], $0xffff;
	_ =	sdelay $0x4  }
0x95: {  	[tilespmem:s25+$0x1D6D0] =	vst v1;
	v1 =	vld [tilespmem:s25+$0x196F0];
	_ =	sdelay $0x1  }
0x96: {  	v0 =	vld.idx.msk [tilespmem:v0+s4+$0x0], $0xffff;
	_ =	sdelay $0x4  }
0x97: {  	[tilespmem:s25+$0x1D6E0] =	vst v0;
	v0 =	vld [tilespmem:s25+$0x19700]  }
0x98: {  	v1 =	vld.idx.msk [tilespmem:v1+s4+$0x0], $0xffff;
	_ =	sdelay $0x4  }
0x99: {  	[tilespmem:s25+$0x1D6F0] =	vst v1;
	v1 =	vld [tilespmem:s25+$0x19710];
	_ =	sdelay $0x1  }
0x9a: {  	v0 =	vld.idx.msk [tilespmem:v0+s4+$0x0], $0xffff;
	_ =	sdelay $0x4  }
0x9b: {  	[tilespmem:s25+$0x1D700] =	vst v0;
	v0 =	vld [tilespmem:s25+$0x19720]  }
0x9c: {  	v1 =	vld.idx.msk [tilespmem:v1+s4+$0x0], $0xffff;
	_ =	sdelay $0x4  }
0x9d: {  	[tilespmem:s25+$0x1D710] =	vst v1;
	v1 =	vld [tilespmem:s25+$0x19730];
	_ =	sdelay $0x1  }
0x9e: {  	v0 =	vld.idx.msk [tilespmem:v0+s4+$0x0], $0xffff;
	_ =	sdelay $0x4  }
0x9f: {  	[tilespmem:s25+$0x1D720] =	vst v0  }
0xa0: {  	v0 =	vld.idx.msk [tilespmem:v1+s4+$0x0], $0xffff;
	_ =	sdelay $0x4  }
0xa1: {  	s31 =	sadd.s32 s22, s8;
	[tilespmem:s25+$0x1D730] =	vst v0  }
0xa2: {  	[hbm4b:s31+s12] =	stream.strided.scatter [tilespmem:s16], [sflag:$0x3], $0x1000, s13, s12, $0x38;
	[tilespmem:$0x1E700] =	vst v63  }
0xa3: {  	_ =	swait.ge [sflag:s17], $0x1000  }
0xa4: {  	[sflag:s17] =	ssyncset.done $0x0  }
0xa5: {  	s23 =	simm.s32 $0x0;
	[sflag:s17] =	ssyncadd.s32 $0xFFFFF000  }
0xa6: {  	v0 =	vld [tilespmem:s23+$0x1A700];
	_ =	sdelay $0x5  }
0xa7: {  	v1 =	vld [tilespmem:s23+$0x1A710];
	_ =	sdelay $0x1  }
0xa8: {  	v0 =	vld.idx.msk [tilespmem:v0+s4+$0x0], $0xffff;
	_ =	sdelay $0x4  }
0xa9: {  	[tilespmem:s23+$0x1C700] =	vst v0;
	v0 =	vld [tilespmem:s23+$0x1A720]  }
0xaa: {  	v1 =	vld.idx.msk [tilespmem:v1+s4+$0x0], $0xffff;
	_ =	sdelay $0x4  }
0xab: {  	[tilespmem:s23+$0x1C710] =	vst v1;
	v1 =	vld [tilespmem:s23+$0x1A730];
	_ =	sdelay $0x1  }
0xac: {  	v0 =	vld.idx.msk [tilespmem:v0+s4+$0x0], $0xffff;
	_ =	sdelay $0x4  }
0xad: {  	[tilespmem:s23+$0x1C720] =	vst v0;
	v0 =	vld [tilespmem:s23+$0x1A740]  }
0xae: {  	v1 =	vld.idx.msk [tilespmem:v1+s4+$0x0], $0xffff;
	_ =	sdelay $0x4  }
0xaf: {  	[tilespmem:s23+$0x1C730] =	vst v1;
	v1 =	vld [tilespmem:s23+$0x1A750];
	_ =	sdelay $0x1  }
0xb0: {  	v0 =	vld.idx.msk [tilespmem:v0+s4+$0x0], $0xffff;
	_ =	sdelay $0x4  }
0xb1: {  	v2 =	vld [tilespmem:s23+$0x1A760];
	[tilespmem:s23+$0x1C740] =	vst v0  }
0xb2: {  	v0 =	vld.idx.msk [tilespmem:v1+s4+$0x0], $0xffff;
	_ =	sdelay $0x4  }
0xb3: {  	[tilespmem:s23+$0x1C750] =	vst v0;
	v0 =	vld [tilespmem:s23+$0x1A770];
	_ =	sdelay $0x1  }
0xb4: {  	v1 =	vld.idx.msk [tilespmem:v2+s4+$0x0], $0xffff;
	_ =	sdelay $0x3  }
0xb5: {  	s24 =	simm.s32 $0x400;
	s25 =	simm.s32 $0x80  }
.LBB2_7:
0xb6: {  	p0 =	sne.s32 s24, $0x3E00;
	v2 =	vld [tilespmem:s25+$0x1A700];
	[tilespmem:s23+$0x1C760] =	vst v1  }
0xb7: {  	v0 =	vld.idx.msk [tilespmem:v0+s4+$0x0], $0xffff;
	_ =	sdelay $0x5  }
0xb8: {  	v1 =	vld [tilespmem:s25+$0x1A710];
	[tilespmem:s23+$0x1C770] =	vst v0;
	s23 =	smov.u32 s25  }
0xb9: {  	v0 =	vld.idx.msk [tilespmem:v2+s4+$0x0], $0xffff;
	_ =	sdelay $0x5  }
0xba: {  	[tilespmem:s23+$0x1C700] =	vst v0;
	v0 =	vld [tilespmem:s23+$0x1A720]  }
0xbb: {  	v1 =	vld.idx.msk [tilespmem:v1+s4+$0x0], $0xffff;
	_ =	sdelay $0x5  }
0xbc: {  	[tilespmem:s23+$0x1C710] =	vst v1;
	v1 =	vld [tilespmem:s23+$0x1A730]  }
0xbd: {  	v0 =	vld.idx.msk [tilespmem:v0+s4+$0x0], $0xffff;
	_ =	sdelay $0x5  }
0xbe: {  	[tilespmem:s23+$0x1C720] =	vst v0;
	v0 =	vld [tilespmem:s23+$0x1A740]  }
0xbf: {  	v1 =	vld.idx.msk [tilespmem:v1+s4+$0x0], $0xffff;
	_ =	sdelay $0x5  }
0xc0: {  	[tilespmem:s23+$0x1C730] =	vst v1;
	v1 =	vld [tilespmem:s23+$0x1A750]  }
0xc1: {  	v0 =	vld.idx.msk [tilespmem:v0+s4+$0x0], $0xffff;
	_ =	sdelay $0x5  }
0xc2: {  	[tilespmem:s23+$0x1C740] =	vst v0;
	v2 =	vld [tilespmem:s23+$0x1A760]  }
0xc3: {  	v0 =	vld.idx.msk [tilespmem:v1+s4+$0x0], $0xffff;
	_ =	sdelay $0x5  }
0xc4: {  	[tilespmem:s23+$0x1C750] =	vst v0;
	v0 =	vld [tilespmem:s23+$0x1A770]  }
0xc5: {  	v1 =	vld.idx.msk [tilespmem:v2+s4+$0x0], $0xffff  }
.Ltmp2:
0xc6: {  	(pc) =	sbr.rel @p0 .LBB2_7-.Ltmp2, $2  }
0xc7: {  	_ =	sdelay $0x2  }
0xc8: {  	s25 =	sshra.s32 s24, $0x2;
	s24 =	sadd.s32 $0x200, s24  }
0xc9: {  	_ =	sdelay $0x1  }
0xca: {  	v2 =	vld [tilespmem:s25+$0x1A700]  }
0xcb: {  	[tilespmem:s23+$0x1C760] =	vst v1  }
0xcc: {  	v0 =	vld.idx.msk [tilespmem:v0+s4+$0x0], $0xffff;
	_ =	sdelay $0x3  }
0xcd: {  	v1 =	vld [tilespmem:s25+$0x1A710]  }
0xce: {  	[tilespmem:s23+$0x1C770] =	vst v0  }
0xcf: {  	v0 =	vld.idx.msk [tilespmem:v2+s4+$0x0], $0xffff;
	_ =	sdelay $0x4  }
0xd0: {  	[tilespmem:s25+$0x1C700] =	vst v0;
	v0 =	vld [tilespmem:s25+$0x1A720]  }
0xd1: {  	v1 =	vld.idx.msk [tilespmem:v1+s4+$0x0], $0xffff;
	_ =	sdelay $0x4  }
0xd2: {  	[tilespmem:s25+$0x1C710] =	vst v1;
	v1 =	vld [tilespmem:s25+$0x1A730];
	_ =	sdelay $0x1  }
0xd3: {  	v0 =	vld.idx.msk [tilespmem:v0+s4+$0x0], $0xffff;
	_ =	sdelay $0x4  }
0xd4: {  	[tilespmem:s25+$0x1C720] =	vst v0;
	v0 =	vld [tilespmem:s25+$0x1A740]  }
0xd5: {  	v1 =	vld.idx.msk [tilespmem:v1+s4+$0x0], $0xffff;
	_ =	sdelay $0x4  }
0xd6: {  	[tilespmem:s25+$0x1C730] =	vst v1;
	v1 =	vld [tilespmem:s25+$0x1A750];
	_ =	sdelay $0x1  }
0xd7: {  	v0 =	vld.idx.msk [tilespmem:v0+s4+$0x0], $0xffff;
	_ =	sdelay $0x4  }
0xd8: {  	[tilespmem:s25+$0x1C740] =	vst v0;
	v0 =	vld [tilespmem:s25+$0x1A760]  }
0xd9: {  	v1 =	vld.idx.msk [tilespmem:v1+s4+$0x0], $0xffff;
	_ =	sdelay $0x4  }
0xda: {  	[tilespmem:s25+$0x1C750] =	vst v1;
	v1 =	vld [tilespmem:s25+$0x1A770];
	_ =	sdelay $0x1  }
0xdb: {  	v0 =	vld.idx.msk [tilespmem:v0+s4+$0x0], $0xffff;
	_ =	sdelay $0x4  }
0xdc: {  	[tilespmem:s25+$0x1C760] =	vst v0  }
0xdd: {  	v0 =	vld.idx.msk [tilespmem:v1+s4+$0x0], $0xffff;
	_ =	sdelay $0x4  }
0xde: {  	s31 =	sadd.s32 s22, s9;
	[tilespmem:s25+$0x1C770] =	vst v0  }
0xdf: {  	[hbm4b:s31+s12] =	stream.strided.scatter [tilespmem:s15], [sflag:$0x2], $0x1000, s13, s12, $0x38;
	[tilespmem:$0x1E700] =	vst v63  }
0xe0: {  	_ =	swait.ge [sflag:s18], $0x1000  }
0xe1: {  	[sflag:s18] =	ssyncset.done $0x0  }
0xe2: {  	s23 =	simm.s32 $0x0;
	[sflag:s18] =	ssyncadd.s32 $0xFFFFF000  }
0xe3: {  	v0 =	vld [tilespmem:s23+$0x1B700];
	_ =	sdelay $0x5  }
0xe4: {  	v1 =	vld [tilespmem:s23+$0x1B710];
	_ =	sdelay $0x1  }
0xe5: {  	v0 =	vld.idx.msk [tilespmem:v0+s4+$0x0], $0xffff;
	_ =	sdelay $0x4  }
0xe6: {  	[tilespmem:s23+$0x1D700] =	vst v0;
	v0 =	vld [tilespmem:s23+$0x1B720]  }
0xe7: {  	v1 =	vld.idx.msk [tilespmem:v1+s4+$0x0], $0xffff;
	_ =	sdelay $0x4  }
0xe8: {  	[tilespmem:s23+$0x1D710] =	vst v1;
	v1 =	vld [tilespmem:s23+$0x1B730];
	_ =	sdelay $0x1  }
0xe9: {  	v0 =	vld.idx.msk [tilespmem:v0+s4+$0x0], $0xffff;
	_ =	sdelay $0x4  }
0xea: {  	[tilespmem:s23+$0x1D720] =	vst v0;
	v0 =	vld [tilespmem:s23+$0x1B740]  }
0xeb: {  	v1 =	vld.idx.msk [tilespmem:v1+s4+$0x0], $0xffff;
	_ =	sdelay $0x4  }
0xec: {  	[tilespmem:s23+$0x1D730] =	vst v1;
	v1 =	vld [tilespmem:s23+$0x1B750];
	_ =	sdelay $0x1  }
0xed: {  	v0 =	vld.idx.msk [tilespmem:v0+s4+$0x0], $0xffff;
	_ =	sdelay $0x4  }
0xee: {  	v2 =	vld [tilespmem:s23+$0x1B760];
	[tilespmem:s23+$0x1D740] =	vst v0  }
0xef: {  	v0 =	vld.idx.msk [tilespmem:v1+s4+$0x0], $0xffff;
	_ =	sdelay $0x4  }
0xf0: {  	[tilespmem:s23+$0x1D750] =	vst v0;
	v0 =	vld [tilespmem:s23+$0x1B770];
	_ =	sdelay $0x1  }
0xf1: {  	v1 =	vld.idx.msk [tilespmem:v2+s4+$0x0], $0xffff;
	_ =	sdelay $0x3  }
0xf2: {  	s24 =	simm.s32 $0x400;
	s25 =	simm.s32 $0x80  }
.LBB2_9:
0xf3: {  	p0 =	sne.s32 s24, $0x3E00;
	v2 =	vld [tilespmem:s25+$0x1B700];
	[tilespmem:s23+$0x1D760] =	vst v1  }
0xf4: {  	v0 =	vld.idx.msk [tilespmem:v0+s4+$0x0], $0xffff;
	_ =	sdelay $0x5  }
0xf5: {  	v1 =	vld [tilespmem:s25+$0x1B710];
	[tilespmem:s23+$0x1D770] =	vst v0;
	s23 =	smov.u32 s25  }
0xf6: {  	v0 =	vld.idx.msk [tilespmem:v2+s4+$0x0], $0xffff;
	_ =	sdelay $0x5  }
0xf7: {  	[tilespmem:s23+$0x1D700] =	vst v0;
	v0 =	vld [tilespmem:s23+$0x1B720]  }
0xf8: {  	v1 =	vld.idx.msk [tilespmem:v1+s4+$0x0], $0xffff;
	_ =	sdelay $0x5  }
0xf9: {  	[tilespmem:s23+$0x1D710] =	vst v1;
	v1 =	vld [tilespmem:s23+$0x1B730]  }
0xfa: {  	v0 =	vld.idx.msk [tilespmem:v0+s4+$0x0], $0xffff;
	_ =	sdelay $0x5  }
0xfb: {  	[tilespmem:s23+$0x1D720] =	vst v0;
	v0 =	vld [tilespmem:s23+$0x1B740]  }
0xfc: {  	v1 =	vld.idx.msk [tilespmem:v1+s4+$0x0], $0xffff;
	_ =	sdelay $0x5  }
0xfd: {  	[tilespmem:s23+$0x1D730] =	vst v1;
	v1 =	vld [tilespmem:s23+$0x1B750]  }
0xfe: {  	v0 =	vld.idx.msk [tilespmem:v0+s4+$0x0], $0xffff;
	_ =	sdelay $0x5  }
0xff: {  	[tilespmem:s23+$0x1D740] =	vst v0;
	v2 =	vld [tilespmem:s23+$0x1B760]  }
0x100: {  	v0 =	vld.idx.msk [tilespmem:v1+s4+$0x0], $0xffff;
	_ =	sdelay $0x5  }
0x101: {  	[tilespmem:s23+$0x1D750] =	vst v0;
	v0 =	vld [tilespmem:s23+$0x1B770]  }
0x102: {  	v1 =	vld.idx.msk [tilespmem:v2+s4+$0x0], $0xffff  }
.Ltmp3:
0x103: {  	(pc) =	sbr.rel @p0 .LBB2_9-.Ltmp3, $2  }
0x104: {  	_ =	sdelay $0x2  }
0x105: {  	s25 =	sshra.s32 s24, $0x2;
	s24 =	sadd.s32 $0x200, s24  }
0x106: {  	_ =	sdelay $0x1  }
0x107: {  	v2 =	vld [tilespmem:s25+$0x1B700]  }
0x108: {  	[tilespmem:s23+$0x1D760] =	vst v1  }
0x109: {  	v0 =	vld.idx.msk [tilespmem:v0+s4+$0x0], $0xffff;
	_ =	sdelay $0x3  }
0x10a: {  	v1 =	vld [tilespmem:s25+$0x1B710]  }
0x10b: {  	[tilespmem:s23+$0x1D770] =	vst v0  }
0x10c: {  	v0 =	vld.idx.msk [tilespmem:v2+s4+$0x0], $0xffff;
	_ =	sdelay $0x3  }
0x10d: {  	v58 =	vld [tilespmem:s25+$0x1B720]  }
0x10e: {  	[tilespmem:s25+$0x1D700] =	vst v0  }
0x10f: {  	v1 =	vld.idx.msk [tilespmem:v1+s4+$0x0], $0xffff;
	_ =	sdelay $0x3  }
0x110: {  	v59 =	vld [tilespmem:s25+$0x1B730]  }
0x111: {  	[tilespmem:s25+$0x1D710] =	vst v1  }
0x112: {  	v0 =	vld.idx.msk [tilespmem:v58+s4+$0x0], $0xffff;
	_ =	sdelay $0x3  }
0x113: {  	v60 =	vld [tilespmem:s25+$0x1B740]  }
0x114: {  	[tilespmem:s25+$0x1D720] =	vst v0  }
0x115: {  	v1 =	vld.idx.msk [tilespmem:v59+s4+$0x0], $0xffff;
	_ =	sdelay $0x3  }
0x116: {  	v61 =	vld [tilespmem:s25+$0x1B750]  }
0x117: {  	[tilespmem:s25+$0x1D730] =	vst v1  }
0x118: {  	v0 =	vld.idx.msk [tilespmem:v60+s4+$0x0], $0xffff;
	_ =	sdelay $0x3  }
0x119: {  	v62 =	vld [tilespmem:s25+$0x1B760]  }
0x11a: {  	[tilespmem:s25+$0x1D740] =	vst v0  }
0x11b: {  	v1 =	vld.idx.msk [tilespmem:v61+s4+$0x0], $0xffff;
	_ =	sdelay $0x3  }
0x11c: {  	v63 =	vld [tilespmem:s25+$0x1B770]  }
0x11d: {  	[tilespmem:s25+$0x1D750] =	vst v1  }
0x11e: {  	v0 =	vld.idx.msk [tilespmem:v62+s4+$0x0], $0xffff;
	_ =	sdelay $0x4  }
0x11f: {  	[tilespmem:s25+$0x1D760] =	vst v0  }
0x120: {  	s20 =	sadd.s32 $0x1, s20;
	v0 =	vld.idx.msk [tilespmem:v63+s4+$0x0], $0xffff  }
0x121: {  	p0 =	sne.s32 s20, $0x1A  }
.Ltmp4:
0x122: {  	_ = 	snop;
	(pc) =	sbr.rel @p0 .LBB2_2-.Ltmp4, $3  }
0x123: {  	_ =	sdelay $0x1  }
0x124: {  	s22 =	sadd.s32 s22, s10;
	[tilespmem:s25+$0x1D770] =	vst v0  }
0x125: {  	[hbm4b:s22+s12] =	stream.strided.scatter [tilespmem:s16], [sflag:$0x3], $0x1000, s13, s12, $0x38;
	[tilespmem:$0x1E700] =	vst v63  }
0x126: {  	s19 =	sadd.s32 $0x1, s19  }
0x127: {  	_ =	swait.ge [sflag:s17], $0x1000;
	p0 =	sne.s32 s19, s11  }
.Ltmp5:
0x128: {  	[sflag:s17] =	ssyncset.done $0x0;
	(pc) =	sbr.rel @p0 .LBB2_1-.Ltmp5, $4  }
0x129: {  	[sflag:s17] =	ssyncadd.s32 $0xFFFFF000  }
0x12a: {  	_ =	swait.ge [sflag:s18], $0x1000  }
0x12b: {  	[sflag:s18] =	ssyncset.done $0x0  }
0x12c: {  	[sflag:s18] =	ssyncadd.s32 $0xFFFFF000  }
0x12d: {  	_ =	sfence.sel $0x180000  }
0x12e: {  	[bflag:$0x0] =	sbarrier.arrive $0xFFFF  }
0x12f: {  	p0 =	sne.s32 s2, $0x0;
	_ =	strace $0x90000047  }
0x130: {  	s0 =	sadd.s32 @!p0 $0x100000, s0;
	[bflag:$0x2] =	sbarrier.arrive $0xFFFF  }
0x131: {  	[sflag:s0] =	ssyncadd.tile.s32 @!p0 $0x1;
	_ =	shalt  }
.Lfunc_end2:
_tile_overlayer_lowered:
.L_overlay_start_2:
0x132: {  	(tag) =	ssettag $0x2  }
0x133: {  	s0 =	rddreg [dreg:$0x0];
	s2 =	stileid.u32  }
0x134: {  	s1 =	rddreg [dreg:$0x1];
	p0 =	sne.s32 s2, $0x0  }
0x135: {  	s3 =	rddreg [dreg:$0x2];
	[bflag:$0x3] =	sbarrier.arrive $0xFFFF;
	s2 =	simm.s32 @!p0 $0x1C04  }
0x136: {  	[timem:s3], [sflag:s2] =	dma.local @!p0 [hbm:s0], s1  }
0x137: {  	s0 =	simm.s32 @!p0 $0x4  }
0x138: {  	_ =	swait.ge @!p0 [sflag:s0], s1  }
0x139: {  	s1 =	ssub.s32 @!p0 $0x0, s1;
	[sflag:s0] =	ssyncset.done @!p0 $0x0  }
0x13a: {  	[sflag:s0] =	ssyncadd.s32 @!p0 s1  }
0x13b: {  	[bflag:$0x3] =	sbarrier.arrive $0xFFFF  }
0x13c: {  	_ =	shalt  }

</sc_bundles>
